<compile_context>
chip_gen: v7x
topology: tpu7x:2x2x1
jax: 0.10.2.dev20260603
libtpu: 0.0.44.dev20260713+nightly
codegen_flags: <defaults>
</compile_context>

<pallas_src>
import functools

import jax
import jax.numpy as jnp
from jax import lax
from jax.experimental import pallas as pl
from jax.experimental.pallas import tpu as pltpu
from jax.experimental.pallas import tpu_sc as plsc

_NC = 2
_NS = 16
_NW = _NC * _NS
_L = 16



def _d_body(s_ref, w_ref, d_ref):
    x = s_ref[...]
    act = x * jax.nn.sigmoid(x)
    w = w_ref[...]
    d_ref[...] = jnp.sum(act * w, axis=1, keepdims=True)


def _compute_d(s, W_dscore):
    n, sdim = s.shape
    bn = 2000
    assert n % bn == 0
    return pl.pallas_call(
        _d_body,
        grid=(n // bn,),
        in_specs=[
            pl.BlockSpec((bn, sdim), lambda i: (i, 0)),
            pl.BlockSpec((1, sdim), lambda i: (0, 0)),
        ],
        out_specs=pl.BlockSpec((bn, 1), lambda i: (i, 0)),
        out_shape=jax.ShapeDtypeStruct((n, 1), jnp.float32),
    )(s, W_dscore)



def _edge_partials(t16, srcs, tgts, zeros16, npad):
    ep = srcs.shape[0]
    k = 512
    assert ep % (_NW * k) == 0
    epw = ep // _NW
    nchunk = epw // k
    assert nchunk >= 4 and nchunk % 2 == 0
    rows_per = npad // _NS

    mesh = plsc.VectorSubcoreMesh(core_axis_name="c", subcore_axis_name="s")

    @functools.partial(
        pl.kernel,
        out_type=pltpu.HBM((_NC, npad, 8), jnp.float32),
        mesh=mesh,
        compiler_params=pltpu.CompilerParams(use_tc_tiling_on_sc=False),
        scratch_types=[
            [pltpu.VMEM((2 * k,), jnp.int32) for _ in range(2)],
            [pltpu.VMEM((k,), jnp.int32) for _ in range(2)],
            [pltpu.VMEM((2 * k, 16), jnp.float32) for _ in range(2)],
            [pltpu.VMEM((k, 16), jnp.float32) for _ in range(2)],
            pltpu.VMEM_SHARED((npad, 16), jnp.float32),
            pltpu.VMEM((npad // (8 * _NS), 16), jnp.float32),
            pltpu.SemaphoreType.DMA,
            pltpu.SemaphoreType.DMA,
            pltpu.SemaphoreType.DMA,
            pltpu.SemaphoreType.DMA,
        ],
    )
    def edge_kernel(t_hbm, src_hbm, tgt_hbm, zero_hbm, out_hbm,
                    idxg, idxs, rows, o16, acc, vout,
                    sem_g, sem_ig, sem_is, sem_sc):
        cid = lax.axis_index("c")
        sid = lax.axis_index("s")
        wid = cid * _NS + sid
        sl = pl.ds(sid * rows_per, rows_per)

        pltpu.sync_copy(zero_hbm, acc.at[sl, :])
        plsc.subcore_barrier()

        base0 = wid * epw
        maxb = ep - k

        def fire_ids(j, slot):
            b = jnp.minimum(base0 + j * k, maxb)
            pltpu.async_copy(src_hbm.at[pl.ds(b, k)],
                             idxg[slot].at[pl.ds(0, k)], sem_ig)
            pltpu.async_copy(tgt_hbm.at[pl.ds(b, k)],
                             idxg[slot].at[pl.ds(k, k)], sem_ig)

        def drain_ids(slot):
            pltpu.make_async_copy(src_hbm.at[pl.ds(0, 2 * k)], idxg[slot],
                                  sem_ig).wait()

        def fire_sids(j, slot):
            b = jnp.minimum(base0 + j * k, maxb)
            pltpu.async_copy(tgt_hbm.at[pl.ds(b, k)], idxs[slot], sem_is)

        def drain_sids(slot):
            pltpu.make_async_copy(tgt_hbm.at[pl.ds(0, k)], idxs[slot],
                                  sem_is).wait()

        def fire_gather(slot):
            pltpu.async_copy(t_hbm.at[idxg[slot]], rows[slot], sem_g)

        def drain_gather(slot):
            pltpu.make_async_copy(t_hbm.at[idxg[slot]], rows[slot],
                                  sem_g).wait()

        def fire_scatter(slot):
            pltpu.async_copy(o16[slot], acc.at[idxs[slot]], sem_sc, add=True)

        def drain_scatter(slot):
            pltpu.make_async_copy(o16[slot], acc.at[idxs[slot]],
                                  sem_sc).wait()

        lane = lax.iota(jnp.int32, _L)
        bidx = lane * 0 + 3

        def compute(slot):
            r = rows[slot]
            ob = o16[slot]

            @plsc.parallel_loop(0, k, 1, unroll=16)
            def comp(j):
                a = r[j, :]
                b = r[k + j, :]
                w = (a + b)[bidx]
                ob[j, :] = (a - b) * w

        def steady(j, a, b, first):
            if not first:
                drain_scatter(b)
            drain_ids(b)
            fire_gather(b)
            fire_sids(j + 1, b)
            drain_gather(a)
            compute(a)
            fire_ids(j + 2, a)
            drain_sids(a)
            fire_scatter(a)

        fire_ids(0, 0)
        drain_ids(0)
        fire_gather(0)
        fire_sids(0, 0)
        fire_ids(1, 1)
        steady(0, 0, 1, first=True)

        def pair(i, _):
            j = 1 + 2 * i
            steady(j, 1, 0, first=False)
            steady(j + 1, 0, 1, first=False)
            return 0

        lax.fori_loop(0, (nchunk - 2) // 2, pair, 0)

        drain_scatter(0)
        drain_gather(1)
        compute(1)
        drain_sids(1)
        fire_scatter(1)
        drain_scatter(1)
        drain_ids(0)
        plsc.subcore_barrier()

        q = rows_per // 8
        for r in range(8):
            sub = pl.ds(sid * rows_per + r * q, q)
            pltpu.sync_copy(acc.at[sub, :], vout)
            pltpu.sync_copy(vout.at[:, pl.ds(0, 8)], out_hbm.at[cid, sub, :])

    return edge_kernel(t16, srcs, tgts, zeros16)



def _fin_body(v2_ref, wbd_ref, p0_ref, p1_ref, o_ref):
    o_ref[...] = (
        jnp.dot(v2_ref[...], wbd_ref[...], preferred_element_type=jnp.float32)
        + p0_ref[...] + p1_ref[...]
    )


def _finalize(v2, wbd, p0, p1):
    n, k2 = v2.shape
    bn = 2000
    assert n % bn == 0
    return pl.pallas_call(
        _fin_body,
        grid=(n // bn,),
        in_specs=[
            pl.BlockSpec((bn, k2), lambda i: (i, 0)),
            pl.BlockSpec((k2, 8), lambda i: (0, 0)),
            pl.BlockSpec((bn, 8), lambda i: (i, 0)),
            pl.BlockSpec((bn, 8), lambda i: (i, 0)),
        ],
        out_specs=pl.BlockSpec((bn, 8), lambda i: (i, 0)),
        out_shape=jax.ShapeDtypeStruct((n, 8), jnp.float32),
    )(v2, wbd, p0, p1)



def kernel(s, v, pos, batch, edge_index_global, W_dscore, W_out):
    del batch
    n = s.shape[0]
    e = edge_index_global.shape[1]
    vdim = v.shape[2]

    d = _compute_d(s, W_dscore)
    t16 = jnp.concatenate(
        [pos, d, jnp.zeros((n, 12), jnp.float32)], axis=1)

    k = 512
    q = 2 * _NW * k
    ep = ((e + q - 1) // q) * q
    srcs = jnp.concatenate(
        [edge_index_global[0], jnp.zeros((ep - e,), edge_index_global.dtype)])
    tgts = jnp.concatenate(
        [edge_index_global[1], jnp.zeros((ep - e,), edge_index_global.dtype)])

    npad = ((n + 8 * _NS - 1) // (8 * _NS)) * (8 * _NS)
    zeros16 = jnp.zeros((npad // _NS, 16), jnp.float32)
    part = _edge_partials(t16, srcs, tgts, zeros16, npad)

    v2 = v.reshape(n, 3 * vdim)
    wbd = jnp.zeros((3 * vdim, 8), jnp.float32)
    for i in range(3):
        wbd = wbd.at[i * vdim:(i + 1) * vdim, i].set(W_out[0])

    score16 = _finalize(v2, wbd, part[0, :n], part[1, :n])
    return score16[:, :3]

# --- scband reference (transcript-rebuilt; emitter-appended) ---
"""Pipeline reference for scband-score-head-78512002171212 (READ-ONLY COPY).

The authoritative reference and input builder live on the scoring server;
editing this copy changes nothing except your own understanding.
"""

import jax, jax.numpy as jnp
import numpy as np

N = 50000
E = 1600000
SDIM = 256
VDIM = 64
BS = 64

def setup_inputs(seed: int = 0) -> dict:
    key = jax.random.key(seed)
    ks = jax.random.split(key, 8)
    s = jax.random.normal(ks[0], (N, SDIM), dtype=jnp.float32)
    v = jax.random.normal(ks[1], (N, 3, VDIM), dtype=jnp.float32)
    pos = jax.random.normal(ks[2], (N, 3), dtype=jnp.float32)
    batch = jnp.sort(jax.random.randint(ks[3], (N,), 0, BS))
    edge_index_global = jax.random.randint(ks[4], (2, E), 0, N)
    W_dscore = jax.random.normal(ks[5], (1, SDIM), dtype=jnp.float32) * (1.0 / np.sqrt(SDIM))
    W_out = jax.random.normal(ks[6], (1, VDIM), dtype=jnp.float32) * (1.0 / np.sqrt(VDIM))
    return {"s": s, "v": v, "pos": pos, "batch": batch,
            "edge_index_global": edge_index_global,
            "W_dscore": W_dscore, "W_out": W_out}

def reference(s, v, pos, batch, edge_index_global, W_dscore, W_out):
    # bs = batch.max() + 1  (only used in conservative branch; conservative=False here)
    s_act = jax.nn.silu(s)
    d = s_act @ W_dscore.T                      # [N, 1], DenseLayer(sdim, 1, bias=False)
    source = edge_index_global[0]
    target = edge_index_global[1]
    d_e = jnp.take(d, source, axis=0) + jnp.take(d, target, axis=0)   # [E, 1]
    r = jnp.take(pos, source, axis=0) - jnp.take(pos, target, axis=0) # [E, 3]
    sr = d_e * r                                # [E, 3]
    sr_n = jnp.zeros((s.shape[0], 3), dtype=sr.dtype).at[target].add(sr)  # scatter-add, [N, 3]
    out_v = jnp.squeeze(v @ W_out.T, axis=-1)   # [N, 3, VDIM] @ [VDIM, 1] -> [N, 3]
    score = out_v + sr_n
    return score

if __name__ == "__main__":
    import jax
    _d = setup_inputs()
    print(jax.jit(kernel)(*tuple(_d.values())))

</pallas_src>

<mosaic_0001>
#map = affine_map<(d0, d1) -> (0, 0)>
#map1 = affine_map<(d0, d1) -> (0)>
#map2 = affine_map<(d0, d1) -> (0, 0, 0)>
module attributes {stable_mosaic.version = 14 : i64} {
  func.func @edge_kernel(%arg0: i32, %arg1: i32, %arg2: memref<50000x16xf32, #tpu.memory_space<hbm>>, %arg3: memref<1605632xi32, #tpu.memory_space<hbm>>, %arg4: memref<1605632xi32, #tpu.memory_space<hbm>>, %arg5: memref<3128x16xf32, #tpu.memory_space<hbm>>, %arg6: memref<2x50048x8xf32, #tpu.memory_space<hbm>>, %arg7: memref<1024xi32, #tpu.memory_space<vmem>>, %arg8: memref<1024xi32, #tpu.memory_space<vmem>>, %arg9: memref<512xi32, #tpu.memory_space<vmem>>, %arg10: memref<512xi32, #tpu.memory_space<vmem>>, %arg11: memref<1024x16xf32, #tpu.memory_space<vmem>>, %arg12: memref<1024x16xf32, #tpu.memory_space<vmem>>, %arg13: memref<512x16xf32, #tpu.memory_space<vmem>>, %arg14: memref<512x16xf32, #tpu.memory_space<vmem>>, %arg15: memref<50048x16xf32, #tpu.memory_space<vmem_shared>>, %arg16: memref<391x16xf32, #tpu.memory_space<vmem>>, %arg17: memref<!tpu.dma_semaphore, #tpu.memory_space<semaphore_mem>>, %arg18: memref<!tpu.dma_semaphore, #tpu.memory_space<semaphore_mem>>, %arg19: memref<!tpu.dma_semaphore, #tpu.memory_space<semaphore_mem>>, %arg20: memref<!tpu.dma_semaphore, #tpu.memory_space<semaphore_mem>>) attributes {dimension_semantics = [#tpu.dimension_semantics<core_parallel>, #tpu.dimension_semantics<subcore_parallel>], iteration_bounds = array<i64: 2, 16>, scalar_prefetch = 0 : i64, scratch_operands = 14 : i64, tpu.core_type = #tpu.core_type<sc_vector_subcore>, window_params = [{transform_indices = #map}, {transform_indices = #map1}, {transform_indices = #map1}, {transform_indices = #map}, {transform_indices = #map2}]} {
    %mul3A = arith.constant 16 : i32
    %mul3A_0 = arith.muli %arg0, %mul3A : i32
    %add3A = arith.addi %mul3A_0, %arg1 : i32
    %mul3A_1 = arith.constant 3128 : i32
    %mul3A_2 = arith.muli %arg1, %mul3A_1 : i32
    "tpu.region"() ({
      %run_scoped3A = tpu.sem_alloc : memref<!tpu.dma_semaphore, #tpu.memory_space<semaphore_mem>>
      %dma_start3A_156 = arith.constant 0 : i32
      %dma_start3A_157 = tpu.memref_slice %arg15[%mul3A_2, %dma_start3A_156] : memref<50048x16xf32, #tpu.memory_space<vmem_shared>> -> memref<3128x16xf32, #tpu.memory_space<vmem_shared>>
      tpu.enqueue_dma source(%arg5 : memref<3128x16xf32, #tpu.memory_space<hbm>>) target(%dma_start3A_157 : memref<3128x16xf32, #tpu.memory_space<vmem_shared>>) target_semaphore(%run_scoped3A : memref<!tpu.dma_semaphore, #tpu.memory_space<semaphore_mem>>)
      %dma_wait3A_158 = arith.constant 0 : i32
      %dma_wait3A_159 = tpu.memref_slice %arg15[%mul3A_2, %dma_wait3A_158] : memref<50048x16xf32, #tpu.memory_space<vmem_shared>> -> memref<3128x16xf32, #tpu.memory_space<vmem_shared>>
      tpu.wait_dma2 semaphore(%run_scoped3A : memref<!tpu.dma_semaphore, #tpu.memory_space<semaphore_mem>>) src(%arg5 : memref<3128x16xf32, #tpu.memory_space<hbm>>) dst(%dma_wait3A_159 : memref<3128x16xf32, #tpu.memory_space<vmem_shared>>)
      tpu.yield
    }) : () -> ()
    %barrier3A = arith.constant 0 : index
    tpu.barrier barrier_id(%barrier3A)
    %mul3A_3 = arith.constant 50176 : i32
    %mul3A_4 = arith.muli %add3A, %mul3A_3 : i32
    %iota3A = tpu.iota {dimensions = array<i32: 0>} : vector<16xi32>
    %mul3A_5 = arith.constant 0 : i32
    %mul3A_6 = vector.broadcast %mul3A_5 : i32 to vector<16xi32>
    %mul3A_7 = arith.muli %iota3A, %mul3A_6 : vector<16xi32>
    %add3A_8 = arith.constant 3 : i32
    %add3A_9 = vector.broadcast %add3A_8 : i32 to vector<16xi32>
    %add3A_10 = arith.addi %mul3A_7, %add3A_9 : vector<16xi32>
    %add3A_11 = arith.constant 0 : i32
    %add3A_12 = arith.addi %mul3A_4, %add3A_11 : i32
    %min3A = arith.constant 1605120 : i32
    %min3A_13 = arith.minsi %add3A_12, %min3A : i32
    %dma_start3A = arith.constant 0 : i32
    %dma_start3A_14 = tpu.memref_slice %arg7[%dma_start3A] : memref<1024xi32, #tpu.memory_space<vmem>> -> memref<512xi32, #tpu.memory_space<vmem>>
    %dma_start3A_15 = tpu.memref_slice %arg3[%min3A_13] : memref<1605632xi32, #tpu.memory_space<hbm>> -> memref<512xi32, #tpu.memory_space<hbm>>
    %dma_start3A_16 = arith.constant 0 : i32
    %dma_start3A_17 = tpu.memref_slice %arg7[%dma_start3A_16] : memref<1024xi32, #tpu.memory_space<vmem>> -> memref<512xi32, #tpu.memory_space<vmem>>
    %dma_start3A_18 = tpu.memref_slice %arg3[%min3A_13] : memref<1605632xi32, #tpu.memory_space<hbm>> -> memref<512xi32, #tpu.memory_space<hbm>>
    tpu.enqueue_dma source(%dma_start3A_18 : memref<512xi32, #tpu.memory_space<hbm>>) target(%dma_start3A_17 : memref<512xi32, #tpu.memory_space<vmem>>) target_semaphore(%arg18 : memref<!tpu.dma_semaphore, #tpu.memory_space<semaphore_mem>>)
    %dma_start3A_19 = arith.constant 512 : i32
    %dma_start3A_20 = tpu.memref_slice %arg7[%dma_start3A_19] : memref<1024xi32, #tpu.memory_space<vmem>> -> memref<512xi32, #tpu.memory_space<vmem>>
    %dma_start3A_21 = tpu.memref_slice %arg4[%min3A_13] : memref<1605632xi32, #tpu.memory_space<hbm>> -> memref<512xi32, #tpu.memory_space<hbm>>
    %dma_start3A_22 = arith.constant 512 : i32
    %dma_start3A_23 = tpu.memref_slice %arg7[%dma_start3A_22] : memref<1024xi32, #tpu.memory_space<vmem>> -> memref<512xi32, #tpu.memory_space<vmem>>
    %dma_start3A_24 = tpu.memref_slice %arg4[%min3A_13] : memref<1605632xi32, #tpu.memory_space<hbm>> -> memref<512xi32, #tpu.memory_space<hbm>>
    tpu.enqueue_dma source(%dma_start3A_24 : memref<512xi32, #tpu.memory_space<hbm>>) target(%dma_start3A_23 : memref<512xi32, #tpu.memory_space<vmem>>) target_semaphore(%arg18 : memref<!tpu.dma_semaphore, #tpu.memory_space<semaphore_mem>>)
    %dma_wait3A = arith.constant 0 : i32
    %dma_wait3A_25 = tpu.memref_slice %arg3[%dma_wait3A] : memref<1605632xi32, #tpu.memory_space<hbm>> -> memref<1024xi32, #tpu.memory_space<hbm>>
    %dma_wait3A_26 = arith.constant 0 : i32
    %dma_wait3A_27 = tpu.memref_slice %arg3[%dma_wait3A_26] : memref<1605632xi32, #tpu.memory_space<hbm>> -> memref<1024xi32, #tpu.memory_space<hbm>>
    tpu.wait_dma2 semaphore(%arg18 : memref<!tpu.dma_semaphore, #tpu.memory_space<semaphore_mem>>) src(%dma_wait3A_27 : memref<1024xi32, #tpu.memory_space<hbm>>) dst(%arg7 : memref<1024xi32, #tpu.memory_space<vmem>>)
    %dma_start3A_28 = arith.constant 0 : i32
    %dma_start3A_29 = arith.constant 0 : i32
    %dma_start3A_30 = tpu.memref_slice %arg2[%dma_start3A_28, %dma_start3A_29] : memref<50000x16xf32, #tpu.memory_space<hbm>> -> memref<50000x16xf32, #tpu.memory_space<hbm>>
    tpu.enqueue_indirect_dma source(%dma_start3A_30 : memref<50000x16xf32, #tpu.memory_space<hbm>>) target(%arg11 : memref<1024x16xf32, #tpu.memory_space<vmem>>) offsets(%arg7 : memref<1024xi32, #tpu.memory_space<vmem>>) semaphore(%arg17 : memref<!tpu.dma_semaphore, #tpu.memory_space<semaphore_mem>>)
    %add3A_31 = arith.constant 0 : i32
    %add3A_32 = arith.addi %mul3A_4, %add3A_31 : i32
    %min3A_33 = arith.constant 1605120 : i32
    %min3A_34 = arith.minsi %add3A_32, %min3A_33 : i32
    %dma_start3A_35 = tpu.memref_slice %arg4[%min3A_34] : memref<1605632xi32, #tpu.memory_space<hbm>> -> memref<512xi32, #tpu.memory_space<hbm>>
    %dma_start3A_36 = tpu.memref_slice %arg4[%min3A_34] : memref<1605632xi32, #tpu.memory_space<hbm>> -> memref<512xi32, #tpu.memory_space<hbm>>
    tpu.enqueue_dma source(%dma_start3A_36 : memref<512xi32, #tpu.memory_space<hbm>>) target(%arg9 : memref<512xi32, #tpu.memory_space<vmem>>) target_semaphore(%arg19 : memref<!tpu.dma_semaphore, #tpu.memory_space<semaphore_mem>>)
    %add3A_37 = arith.constant 512 : i32
    %add3A_38 = arith.addi %mul3A_4, %add3A_37 : i32
    %min3A_39 = arith.constant 1605120 : i32
    %min3A_40 = arith.minsi %add3A_38, %min3A_39 : i32
    %dma_start3A_41 = arith.constant 0 : i32
    %dma_start3A_42 = tpu.memref_slice %arg8[%dma_start3A_41] : memref<1024xi32, #tpu.memory_space<vmem>> -> memref<512xi32, #tpu.memory_space<vmem>>
    %dma_start3A_43 = tpu.memref_slice %arg3[%min3A_40] : memref<1605632xi32, #tpu.memory_space<hbm>> -> memref<512xi32, #tpu.memory_space<hbm>>
    %dma_start3A_44 = arith.constant 0 : i32
    %dma_start3A_45 = tpu.memref_slice %arg8[%dma_start3A_44] : memref<1024xi32, #tpu.memory_space<vmem>> -> memref<512xi32, #tpu.memory_space<vmem>>
    %dma_start3A_46 = tpu.memref_slice %arg3[%min3A_40] : memref<1605632xi32, #tpu.memory_space<hbm>> -> memref<512xi32, #tpu.memory_space<hbm>>
    tpu.enqueue_dma source(%dma_start3A_46 : memref<512xi32, #tpu.memory_space<hbm>>) target(%dma_start3A_45 : memref<512xi32, #tpu.memory_space<vmem>>) target_semaphore(%arg18 : memref<!tpu.dma_semaphore, #tpu.memory_space<semaphore_mem>>)
    %dma_start3A_47 = arith.constant 512 : i32
    %dma_start3A_48 = tpu.memref_slice %arg8[%dma_start3A_47] : memref<1024xi32, #tpu.memory_space<vmem>> -> memref<512xi32, #tpu.memory_space<vmem>>
    %dma_start3A_49 = tpu.memref_slice %arg4[%min3A_40] : memref<1605632xi32, #tpu.memory_space<hbm>> -> memref<512xi32, #tpu.memory_space<hbm>>
    %dma_start3A_50 = arith.constant 512 : i32
    %dma_start3A_51 = tpu.memref_slice %arg8[%dma_start3A_50] : memref<1024xi32, #tpu.memory_space<vmem>> -> memref<512xi32, #tpu.memory_space<vmem>>
    %dma_start3A_52 = tpu.memref_slice %arg4[%min3A_40] : memref<1605632xi32, #tpu.memory_space<hbm>> -> memref<512xi32, #tpu.memory_space<hbm>>
    tpu.enqueue_dma source(%dma_start3A_52 : memref<512xi32, #tpu.memory_space<hbm>>) target(%dma_start3A_51 : memref<512xi32, #tpu.memory_space<vmem>>) target_semaphore(%arg18 : memref<!tpu.dma_semaphore, #tpu.memory_space<semaphore_mem>>)
    %dma_wait3A_53 = arith.constant 0 : i32
    %dma_wait3A_54 = tpu.memref_slice %arg3[%dma_wait3A_53] : memref<1605632xi32, #tpu.memory_space<hbm>> -> memref<1024xi32, #tpu.memory_space<hbm>>
    %dma_wait3A_55 = arith.constant 0 : i32
    %dma_wait3A_56 = tpu.memref_slice %arg3[%dma_wait3A_55] : memref<1605632xi32, #tpu.memory_space<hbm>> -> memref<1024xi32, #tpu.memory_space<hbm>>
    tpu.wait_dma2 semaphore(%arg18 : memref<!tpu.dma_semaphore, #tpu.memory_space<semaphore_mem>>) src(%dma_wait3A_56 : memref<1024xi32, #tpu.memory_space<hbm>>) dst(%arg8 : memref<1024xi32, #tpu.memory_space<vmem>>)
    %dma_start3A_57 = arith.constant 0 : i32
    %dma_start3A_58 = arith.constant 0 : i32
    %dma_start3A_59 = tpu.memref_slice %arg2[%dma_start3A_57, %dma_start3A_58] : memref<50000x16xf32, #tpu.memory_space<hbm>> -> memref<50000x16xf32, #tpu.memory_space<hbm>>
    tpu.enqueue_indirect_dma source(%dma_start3A_59 : memref<50000x16xf32, #tpu.memory_space<hbm>>) target(%arg12 : memref<1024x16xf32, #tpu.memory_space<vmem>>) offsets(%arg8 : memref<1024xi32, #tpu.memory_space<vmem>>) semaphore(%arg17 : memref<!tpu.dma_semaphore, #tpu.memory_space<semaphore_mem>>)
    %add3A_60 = arith.constant 512 : i32
    %add3A_61 = arith.addi %mul3A_4, %add3A_60 : i32
    %min3A_62 = arith.constant 1605120 : i32
    %min3A_63 = arith.minsi %add3A_61, %min3A_62 : i32
    %dma_start3A_64 = tpu.memref_slice %arg4[%min3A_63] : memref<1605632xi32, #tpu.memory_space<hbm>> -> memref<512xi32, #tpu.memory_space<hbm>>
    %dma_start3A_65 = tpu.memref_slice %arg4[%min3A_63] : memref<1605632xi32, #tpu.memory_space<hbm>> -> memref<512xi32, #tpu.memory_space<hbm>>
    tpu.enqueue_dma source(%dma_start3A_65 : memref<512xi32, #tpu.memory_space<hbm>>) target(%arg10 : memref<512xi32, #tpu.memory_space<vmem>>) target_semaphore(%arg19 : memref<!tpu.dma_semaphore, #tpu.memory_space<semaphore_mem>>)
    %dma_wait3A_66 = arith.constant 0 : i32
    %dma_wait3A_67 = arith.constant 0 : i32
    %dma_wait3A_68 = tpu.memref_slice %arg2[%dma_wait3A_66, %dma_wait3A_67] : memref<50000x16xf32, #tpu.memory_space<hbm>> -> memref<50000x16xf32, #tpu.memory_space<hbm>>
    tpu.wait_indirect_dma semaphore(%arg17 : memref<!tpu.dma_semaphore, #tpu.memory_space<semaphore_mem>>) src(%dma_wait3A_68 : memref<50000x16xf32, #tpu.memory_space<hbm>>) dst(%arg11 : memref<1024x16xf32, #tpu.memory_space<vmem>>)
    %parallel_loop3A = arith.constant 0 : i32
    %parallel_loop3A_69 = arith.constant 512 : i32
    %parallel_loop3A_70 = arith.constant 1 : i32
    scf.for %parallel_loop3A_156 = %parallel_loop3A to %parallel_loop3A_69 step %parallel_loop3A_70  : i32 {
      %parallel_loop3A_157 = arith.index_cast %parallel_loop3A_156 : i32 to index
      %parallel_loop3A_158 = arith.constant 0 : index
      %parallel_loop3A_159 = tpu.vector_load %arg11[%parallel_loop3A_157, %parallel_loop3A_158] {strides = array<i32>} : memref<1024x16xf32, #tpu.memory_space<vmem>>, vector<1x16xf32>,
      %parallel_loop3A_160 = vector.shape_cast %parallel_loop3A_159 : vector<1x16xf32> to vector<16xf32>
      %parallel_loop3A_161 = arith.constant 512 : i32
      %parallel_loop3A_162 = arith.addi %parallel_loop3A_161, %parallel_loop3A_156 : i32
      %parallel_loop3A_163 = arith.index_cast %parallel_loop3A_162 : i32 to index
      %parallel_loop3A_164 = arith.constant 0 : index
      %parallel_loop3A_165 = tpu.vector_load %arg11[%parallel_loop3A_163, %parallel_loop3A_164] {strides = array<i32>} : memref<1024x16xf32, #tpu.memory_space<vmem>>, vector<1x16xf32>,
      %parallel_loop3A_166 = vector.shape_cast %parallel_loop3A_165 : vector<1x16xf32> to vector<16xf32>
      %parallel_loop3A_167 = arith.addf %parallel_loop3A_160, %parallel_loop3A_166 : vector<16xf32>
      %parallel_loop3A_168 = arith.constant 0 : i32
      %parallel_loop3A_169 = vector.broadcast %parallel_loop3A_168 : i32 to vector<16xi32>
      %parallel_loop3A_170 = arith.cmpi slt, %add3A_10, %parallel_loop3A_169 : vector<16xi32>
      %parallel_loop3A_171 = arith.constant 16 : i32
      %parallel_loop3A_172 = vector.broadcast %parallel_loop3A_171 : i32 to vector<16xi32>
      %parallel_loop3A_173 = arith.addi %add3A_10, %parallel_loop3A_172 : vector<16xi32>
      %parallel_loop3A_174 = arith.select %parallel_loop3A_170, %parallel_loop3A_173, %add3A_10 : vector<16xi1>, vector<16xi32>
      %parallel_loop3A_175 = vector.shape_cast %parallel_loop3A_174 : vector<16xi32> to vector<16x1xi32>
      %parallel_loop3A_176 = vector.shape_cast %parallel_loop3A_175 : vector<16x1xi32> to vector<16xi32>
      %parallel_loop3A_177 = tpu.dynamic_gather %parallel_loop3A_167[%parallel_loop3A_176] in [0] : vector<16xf32>, vector<16xi32> -> vector<16xf32>
      %parallel_loop3A_178 = arith.subf %parallel_loop3A_160, %parallel_loop3A_166 : vector<16xf32>
      %parallel_loop3A_179 = arith.mulf %parallel_loop3A_178, %parallel_loop3A_177 : vector<16xf32>
      %parallel_loop3A_180 = arith.index_cast %parallel_loop3A_156 : i32 to index
      %parallel_loop3A_181 = arith.constant 0 : index
      %parallel_loop3A_182 = tpu.vector_load %arg13[%parallel_loop3A_180, %parallel_loop3A_181] {strides = array<i32>} : memref<512x16xf32, #tpu.memory_space<vmem>>, vector<1x16xf32>,
      %parallel_loop3A_183 = vector.shape_cast %parallel_loop3A_182 : vector<1x16xf32> to vector<16xf32>
      %parallel_loop3A_184 = vector.shape_cast %parallel_loop3A_179 : vector<16xf32> to vector<1x16xf32>
      tpu.vector_store %arg13[%parallel_loop3A_180, %parallel_loop3A_181], %parallel_loop3A_184 {strides = array<i32>} : memref<512x16xf32, #tpu.memory_space<vmem>>, vector<1x16xf32>,
    } {sc.loop_unroll_factor = 16 : i64, sc.parallel_access}
    %add3A_71 = arith.constant 1024 : i32
    %add3A_72 = arith.addi %mul3A_4, %add3A_71 : i32
    %min3A_73 = arith.constant 1605120 : i32
    %min3A_74 = arith.minsi %add3A_72, %min3A_73 : i32
    %dma_start3A_75 = arith.constant 0 : i32
    %dma_start3A_76 = tpu.memref_slice %arg7[%dma_start3A_75] : memref<1024xi32, #tpu.memory_space<vmem>> -> memref<512xi32, #tpu.memory_space<vmem>>
    %dma_start3A_77 = tpu.memref_slice %arg3[%min3A_74] : memref<1605632xi32, #tpu.memory_space<hbm>> -> memref<512xi32, #tpu.memory_space<hbm>>
    %dma_start3A_78 = arith.constant 0 : i32
    %dma_start3A_79 = tpu.memref_slice %arg7[%dma_start3A_78] : memref<1024xi32, #tpu.memory_space<vmem>> -> memref<512xi32, #tpu.memory_space<vmem>>
    %dma_start3A_80 = tpu.memref_slice %arg3[%min3A_74] : memref<1605632xi32, #tpu.memory_space<hbm>> -> memref<512xi32, #tpu.memory_space<hbm>>
    tpu.enqueue_dma source(%dma_start3A_80 : memref<512xi32, #tpu.memory_space<hbm>>) target(%dma_start3A_79 : memref<512xi32, #tpu.memory_space<vmem>>) target_semaphore(%arg18 : memref<!tpu.dma_semaphore, #tpu.memory_space<semaphore_mem>>)
    %dma_start3A_81 = arith.constant 512 : i32
    %dma_start3A_82 = tpu.memref_slice %arg7[%dma_start3A_81] : memref<1024xi32, #tpu.memory_space<vmem>> -> memref<512xi32, #tpu.memory_space<vmem>>
    %dma_start3A_83 = tpu.memref_slice %arg4[%min3A_74] : memref<1605632xi32, #tpu.memory_space<hbm>> -> memref<512xi32, #tpu.memory_space<hbm>>
    %dma_start3A_84 = arith.constant 512 : i32
    %dma_start3A_85 = tpu.memref_slice %arg7[%dma_start3A_84] : memref<1024xi32, #tpu.memory_space<vmem>> -> memref<512xi32, #tpu.memory_space<vmem>>
    %dma_start3A_86 = tpu.memref_slice %arg4[%min3A_74] : memref<1605632xi32, #tpu.memory_space<hbm>> -> memref<512xi32, #tpu.memory_space<hbm>>
    tpu.enqueue_dma source(%dma_start3A_86 : memref<512xi32, #tpu.memory_space<hbm>>) target(%dma_start3A_85 : memref<512xi32, #tpu.memory_space<vmem>>) target_semaphore(%arg18 : memref<!tpu.dma_semaphore, #tpu.memory_space<semaphore_mem>>)
    %dma_wait3A_87 = arith.constant 0 : i32
    %dma_wait3A_88 = tpu.memref_slice %arg4[%dma_wait3A_87] : memref<1605632xi32, #tpu.memory_space<hbm>> -> memref<512xi32, #tpu.memory_space<hbm>>
    %dma_wait3A_89 = arith.constant 0 : i32
    %dma_wait3A_90 = tpu.memref_slice %arg4[%dma_wait3A_89] : memref<1605632xi32, #tpu.memory_space<hbm>> -> memref<512xi32, #tpu.memory_space<hbm>>
    tpu.wait_dma2 semaphore(%arg19 : memref<!tpu.dma_semaphore, #tpu.memory_space<semaphore_mem>>) src(%dma_wait3A_90 : memref<512xi32, #tpu.memory_space<hbm>>) dst(%arg9 : memref<512xi32, #tpu.memory_space<vmem>>)
    %dma_start3A_91 = arith.constant 0 : i32
    %dma_start3A_92 = arith.constant 0 : i32
    %dma_start3A_93 = tpu.memref_slice %arg15[%dma_start3A_91, %dma_start3A_92] : memref<50048x16xf32, #tpu.memory_space<vmem_shared>> -> memref<50048x16xf32, #tpu.memory_space<vmem_shared>>
    tpu.enqueue_indirect_dma source(%arg13 : memref<512x16xf32, #tpu.memory_space<vmem>>) target(%dma_start3A_93 : memref<50048x16xf32, #tpu.memory_space<vmem_shared>>) offsets(%arg9 : memref<512xi32, #tpu.memory_space<vmem>>) semaphore(%arg20 : memref<!tpu.dma_semaphore, #tpu.memory_space<semaphore_mem>>) {add = true}
    %scan3A = arith.constant 0 : i32
    %scan3A_94 = arith.constant 0 : i32
    %scan3A_95 = arith.constant 48 : i32
    %scan3A_96 = arith.addi %scan3A_94, %scan3A_95 : i32
    %scan3A_97 = arith.constant 1 : i32
    %scan3A_98 = scf.for %scan3A_156 = %scan3A_94 to %scan3A_96 step %scan3A_97 iter_args(%scan3A_157 = %scan3A) -> (i32)  : i32 {
      %mul3A_158 = arith.constant 2 : i32
      %mul3A_159 = arith.muli %mul3A_158, %scan3A_156 : i32
      %add3A_160 = arith.constant 1 : i32
      %add3A_161 = arith.addi %add3A_160, %mul3A_159 : i32
      %dma_wait3A_162 = arith.constant 0 : i32
      %dma_wait3A_163 = arith.constant 0 : i32
      %dma_wait3A_164 = tpu.memref_slice %arg15[%dma_wait3A_162, %dma_wait3A_163] : memref<50048x16xf32, #tpu.memory_space<vmem_shared>> -> memref<50048x16xf32, #tpu.memory_space<vmem_shared>>
      tpu.wait_indirect_dma semaphore(%arg20 : memref<!tpu.dma_semaphore, #tpu.memory_space<semaphore_mem>>) src(%arg13 : memref<512x16xf32, #tpu.memory_space<vmem>>) dst(%dma_wait3A_164 : memref<50048x16xf32, #tpu.memory_space<vmem_shared>>)
      %dma_wait3A_165 = arith.constant 0 : i32
      %dma_wait3A_166 = tpu.memref_slice %arg3[%dma_wait3A_165] : memref<1605632xi32, #tpu.memory_space<hbm>> -> memref<1024xi32, #tpu.memory_space<hbm>>
      %dma_wait3A_167 = arith.constant 0 : i32
      %dma_wait3A_168 = tpu.memref_slice %arg3[%dma_wait3A_167] : memref<1605632xi32, #tpu.memory_space<hbm>> -> memref<1024xi32, #tpu.memory_space<hbm>>
      tpu.wait_dma2 semaphore(%arg18 : memref<!tpu.dma_semaphore, #tpu.memory_space<semaphore_mem>>) src(%dma_wait3A_168 : memref<1024xi32, #tpu.memory_space<hbm>>) dst(%arg7 : memref<1024xi32, #tpu.memory_space<vmem>>)
      %dma_start3A_169 = arith.constant 0 : i32
      %dma_start3A_170 = arith.constant 0 : i32
      %dma_start3A_171 = tpu.memref_slice %arg2[%dma_start3A_169, %dma_start3A_170] : memref<50000x16xf32, #tpu.memory_space<hbm>> -> memref<50000x16xf32, #tpu.memory_space<hbm>>
      tpu.enqueue_indirect_dma source(%dma_start3A_171 : memref<50000x16xf32, #tpu.memory_space<hbm>>) target(%arg11 : memref<1024x16xf32, #tpu.memory_space<vmem>>) offsets(%arg7 : memref<1024xi32, #tpu.memory_space<vmem>>) semaphore(%arg17 : memref<!tpu.dma_semaphore, #tpu.memory_space<semaphore_mem>>)
      %add3A_172 = arith.constant 1 : i32
      %add3A_173 = arith.addi %add3A_161, %add3A_172 : i32
      %mul3A_174 = arith.constant 512 : i32
      %mul3A_175 = arith.muli %add3A_173, %mul3A_174 : i32
      %add3A_176 = arith.addi %mul3A_4, %mul3A_175 : i32
      %min3A_177 = arith.constant 1605120 : i32
      %min3A_178 = arith.minsi %add3A_176, %min3A_177 : i32
      %dma_start3A_179 = tpu.memref_slice %arg4[%min3A_178] : memref<1605632xi32, #tpu.memory_space<hbm>> -> memref<512xi32, #tpu.memory_space<hbm>>
      %dma_start3A_180 = tpu.memref_slice %arg4[%min3A_178] : memref<1605632xi32, #tpu.memory_space<hbm>> -> memref<512xi32, #tpu.memory_space<hbm>>
      tpu.enqueue_dma source(%dma_start3A_180 : memref<512xi32, #tpu.memory_space<hbm>>) target(%arg9 : memref<512xi32, #tpu.memory_space<vmem>>) target_semaphore(%arg19 : memref<!tpu.dma_semaphore, #tpu.memory_space<semaphore_mem>>)
      %dma_wait3A_181 = arith.constant 0 : i32
      %dma_wait3A_182 = arith.constant 0 : i32
      %dma_wait3A_183 = tpu.memref_slice %arg2[%dma_wait3A_181, %dma_wait3A_182] : memref<50000x16xf32, #tpu.memory_space<hbm>> -> memref<50000x16xf32, #tpu.memory_space<hbm>>
      tpu.wait_indirect_dma semaphore(%arg17 : memref<!tpu.dma_semaphore, #tpu.memory_space<semaphore_mem>>) src(%dma_wait3A_183 : memref<50000x16xf32, #tpu.memory_space<hbm>>) dst(%arg12 : memref<1024x16xf32, #tpu.memory_space<vmem>>)
      %parallel_loop3A_184 = arith.constant 0 : i32
      %parallel_loop3A_185 = arith.constant 512 : i32
      %parallel_loop3A_186 = arith.constant 1 : i32
      scf.for %parallel_loop3A_267 = %parallel_loop3A_184 to %parallel_loop3A_185 step %parallel_loop3A_186  : i32 {
        %parallel_loop3A_268 = arith.index_cast %parallel_loop3A_267 : i32 to index
        %parallel_loop3A_269 = arith.constant 0 : index
        %parallel_loop3A_270 = tpu.vector_load %arg12[%parallel_loop3A_268, %parallel_loop3A_269] {strides = array<i32>} : memref<1024x16xf32, #tpu.memory_space<vmem>>, vector<1x16xf32>,
        %parallel_loop3A_271 = vector.shape_cast %parallel_loop3A_270 : vector<1x16xf32> to vector<16xf32>
        %parallel_loop3A_272 = arith.constant 512 : i32
        %parallel_loop3A_273 = arith.addi %parallel_loop3A_272, %parallel_loop3A_267 : i32
        %parallel_loop3A_274 = arith.index_cast %parallel_loop3A_273 : i32 to index
        %parallel_loop3A_275 = arith.constant 0 : index
        %parallel_loop3A_276 = tpu.vector_load %arg12[%parallel_loop3A_274, %parallel_loop3A_275] {strides = array<i32>} : memref<1024x16xf32, #tpu.memory_space<vmem>>, vector<1x16xf32>,
        %parallel_loop3A_277 = vector.shape_cast %parallel_loop3A_276 : vector<1x16xf32> to vector<16xf32>
        %parallel_loop3A_278 = arith.addf %parallel_loop3A_271, %parallel_loop3A_277 : vector<16xf32>
        %parallel_loop3A_279 = arith.constant 0 : i32
        %parallel_loop3A_280 = vector.broadcast %parallel_loop3A_279 : i32 to vector<16xi32>
        %parallel_loop3A_281 = arith.cmpi slt, %add3A_10, %parallel_loop3A_280 : vector<16xi32>
        %parallel_loop3A_282 = arith.constant 16 : i32
        %parallel_loop3A_283 = vector.broadcast %parallel_loop3A_282 : i32 to vector<16xi32>
        %parallel_loop3A_284 = arith.addi %add3A_10, %parallel_loop3A_283 : vector<16xi32>
        %parallel_loop3A_285 = arith.select %parallel_loop3A_281, %parallel_loop3A_284, %add3A_10 : vector<16xi1>, vector<16xi32>
        %parallel_loop3A_286 = vector.shape_cast %parallel_loop3A_285 : vector<16xi32> to vector<16x1xi32>
        %parallel_loop3A_287 = vector.shape_cast %parallel_loop3A_286 : vector<16x1xi32> to vector<16xi32>
        %parallel_loop3A_288 = tpu.dynamic_gather %parallel_loop3A_278[%parallel_loop3A_287] in [0] : vector<16xf32>, vector<16xi32> -> vector<16xf32>
        %parallel_loop3A_289 = arith.subf %parallel_loop3A_271, %parallel_loop3A_277 : vector<16xf32>
        %parallel_loop3A_290 = arith.mulf %parallel_loop3A_289, %parallel_loop3A_288 : vector<16xf32>
        %parallel_loop3A_291 = arith.index_cast %parallel_loop3A_267 : i32 to index
        %parallel_loop3A_292 = arith.constant 0 : index
        %parallel_loop3A_293 = tpu.vector_load %arg14[%parallel_loop3A_291, %parallel_loop3A_292] {strides = array<i32>} : memref<512x16xf32, #tpu.memory_space<vmem>>, vector<1x16xf32>,
        %parallel_loop3A_294 = vector.shape_cast %parallel_loop3A_293 : vector<1x16xf32> to vector<16xf32>
        %parallel_loop3A_295 = vector.shape_cast %parallel_loop3A_290 : vector<16xf32> to vector<1x16xf32>
        tpu.vector_store %arg14[%parallel_loop3A_291, %parallel_loop3A_292], %parallel_loop3A_295 {strides = array<i32>} : memref<512x16xf32, #tpu.memory_space<vmem>>, vector<1x16xf32>,
      } {sc.loop_unroll_factor = 16 : i64, sc.parallel_access}
      %add3A_187 = arith.constant 2 : i32
      %add3A_188 = arith.addi %add3A_161, %add3A_187 : i32
      %mul3A_189 = arith.constant 512 : i32
      %mul3A_190 = arith.muli %add3A_188, %mul3A_189 : i32
      %add3A_191 = arith.addi %mul3A_4, %mul3A_190 : i32
      %min3A_192 = arith.constant 1605120 : i32
      %min3A_193 = arith.minsi %add3A_191, %min3A_192 : i32
      %dma_start3A_194 = arith.constant 0 : i32
      %dma_start3A_195 = tpu.memref_slice %arg8[%dma_start3A_194] : memref<1024xi32, #tpu.memory_space<vmem>> -> memref<512xi32, #tpu.memory_space<vmem>>
      %dma_start3A_196 = tpu.memref_slice %arg3[%min3A_193] : memref<1605632xi32, #tpu.memory_space<hbm>> -> memref<512xi32, #tpu.memory_space<hbm>>
      %dma_start3A_197 = arith.constant 0 : i32
      %dma_start3A_198 = tpu.memref_slice %arg8[%dma_start3A_197] : memref<1024xi32, #tpu.memory_space<vmem>> -> memref<512xi32, #tpu.memory_space<vmem>>
      %dma_start3A_199 = tpu.memref_slice %arg3[%min3A_193] : memref<1605632xi32, #tpu.memory_space<hbm>> -> memref<512xi32, #tpu.memory_space<hbm>>
      tpu.enqueue_dma source(%dma_start3A_199 : memref<512xi32, #tpu.memory_space<hbm>>) target(%dma_start3A_198 : memref<512xi32, #tpu.memory_space<vmem>>) target_semaphore(%arg18 : memref<!tpu.dma_semaphore, #tpu.memory_space<semaphore_mem>>)
      %dma_start3A_200 = arith.constant 512 : i32
      %dma_start3A_201 = tpu.memref_slice %arg8[%dma_start3A_200] : memref<1024xi32, #tpu.memory_space<vmem>> -> memref<512xi32, #tpu.memory_space<vmem>>
      %dma_start3A_202 = tpu.memref_slice %arg4[%min3A_193] : memref<1605632xi32, #tpu.memory_space<hbm>> -> memref<512xi32, #tpu.memory_space<hbm>>
      %dma_start3A_203 = arith.constant 512 : i32
      %dma_start3A_204 = tpu.memref_slice %arg8[%dma_start3A_203] : memref<1024xi32, #tpu.memory_space<vmem>> -> memref<512xi32, #tpu.memory_space<vmem>>
      %dma_start3A_205 = tpu.memref_slice %arg4[%min3A_193] : memref<1605632xi32, #tpu.memory_space<hbm>> -> memref<512xi32, #tpu.memory_space<hbm>>
      tpu.enqueue_dma source(%dma_start3A_205 : memref<512xi32, #tpu.memory_space<hbm>>) target(%dma_start3A_204 : memref<512xi32, #tpu.memory_space<vmem>>) target_semaphore(%arg18 : memref<!tpu.dma_semaphore, #tpu.memory_space<semaphore_mem>>)
      %dma_wait3A_206 = arith.constant 0 : i32
      %dma_wait3A_207 = tpu.memref_slice %arg4[%dma_wait3A_206] : memref<1605632xi32, #tpu.memory_space<hbm>> -> memref<512xi32, #tpu.memory_space<hbm>>
      %dma_wait3A_208 = arith.constant 0 : i32
      %dma_wait3A_209 = tpu.memref_slice %arg4[%dma_wait3A_208] : memref<1605632xi32, #tpu.memory_space<hbm>> -> memref<512xi32, #tpu.memory_space<hbm>>
      tpu.wait_dma2 semaphore(%arg19 : memref<!tpu.dma_semaphore, #tpu.memory_space<semaphore_mem>>) src(%dma_wait3A_209 : memref<512xi32, #tpu.memory_space<hbm>>) dst(%arg10 : memref<512xi32, #tpu.memory_space<vmem>>)
      %dma_start3A_210 = arith.constant 0 : i32
      %dma_start3A_211 = arith.constant 0 : i32
      %dma_start3A_212 = tpu.memref_slice %arg15[%dma_start3A_210, %dma_start3A_211] : memref<50048x16xf32, #tpu.memory_space<vmem_shared>> -> memref<50048x16xf32, #tpu.memory_space<vmem_shared>>
      tpu.enqueue_indirect_dma source(%arg14 : memref<512x16xf32, #tpu.memory_space<vmem>>) target(%dma_start3A_212 : memref<50048x16xf32, #tpu.memory_space<vmem_shared>>) offsets(%arg10 : memref<512xi32, #tpu.memory_space<vmem>>) semaphore(%arg20 : memref<!tpu.dma_semaphore, #tpu.memory_space<semaphore_mem>>) {add = true}
      %add3A_213 = arith.constant 1 : i32
      %add3A_214 = arith.addi %add3A_161, %add3A_213 : i32
      %dma_wait3A_215 = arith.constant 0 : i32
      %dma_wait3A_216 = arith.constant 0 : i32
      %dma_wait3A_217 = tpu.memref_slice %arg15[%dma_wait3A_215, %dma_wait3A_216] : memref<50048x16xf32, #tpu.memory_space<vmem_shared>> -> memref<50048x16xf32, #tpu.memory_space<vmem_shared>>
      tpu.wait_indirect_dma semaphore(%arg20 : memref<!tpu.dma_semaphore, #tpu.memory_space<semaphore_mem>>) src(%arg14 : memref<512x16xf32, #tpu.memory_space<vmem>>) dst(%dma_wait3A_217 : memref<50048x16xf32, #tpu.memory_space<vmem_shared>>)
      %dma_wait3A_218 = arith.constant 0 : i32
      %dma_wait3A_219 = tpu.memref_slice %arg3[%dma_wait3A_218] : memref<1605632xi32, #tpu.memory_space<hbm>> -> memref<1024xi32, #tpu.memory_space<hbm>>
      %dma_wait3A_220 = arith.constant 0 : i32
      %dma_wait3A_221 = tpu.memref_slice %arg3[%dma_wait3A_220] : memref<1605632xi32, #tpu.memory_space<hbm>> -> memref<1024xi32, #tpu.memory_space<hbm>>
      tpu.wait_dma2 semaphore(%arg18 : memref<!tpu.dma_semaphore, #tpu.memory_space<semaphore_mem>>) src(%dma_wait3A_221 : memref<1024xi32, #tpu.memory_space<hbm>>) dst(%arg8 : memref<1024xi32, #tpu.memory_space<vmem>>)
      %dma_start3A_222 = arith.constant 0 : i32
      %dma_start3A_223 = arith.constant 0 : i32
      %dma_start3A_224 = tpu.memref_slice %arg2[%dma_start3A_222, %dma_start3A_223] : memref<50000x16xf32, #tpu.memory_space<hbm>> -> memref<50000x16xf32, #tpu.memory_space<hbm>>
      tpu.enqueue_indirect_dma source(%dma_start3A_224 : memref<50000x16xf32, #tpu.memory_space<hbm>>) target(%arg12 : memref<1024x16xf32, #tpu.memory_space<vmem>>) offsets(%arg8 : memref<1024xi32, #tpu.memory_space<vmem>>) semaphore(%arg17 : memref<!tpu.dma_semaphore, #tpu.memory_space<semaphore_mem>>)
      %add3A_225 = arith.constant 1 : i32
      %add3A_226 = arith.addi %add3A_214, %add3A_225 : i32
      %mul3A_227 = arith.constant 512 : i32
      %mul3A_228 = arith.muli %add3A_226, %mul3A_227 : i32
      %add3A_229 = arith.addi %mul3A_4, %mul3A_228 : i32
      %min3A_230 = arith.constant 1605120 : i32
      %min3A_231 = arith.minsi %add3A_229, %min3A_230 : i32
      %dma_start3A_232 = tpu.memref_slice %arg4[%min3A_231] : memref<1605632xi32, #tpu.memory_space<hbm>> -> memref<512xi32, #tpu.memory_space<hbm>>
      %dma_start3A_233 = tpu.memref_slice %arg4[%min3A_231] : memref<1605632xi32, #tpu.memory_space<hbm>> -> memref<512xi32, #tpu.memory_space<hbm>>
      tpu.enqueue_dma source(%dma_start3A_233 : memref<512xi32, #tpu.memory_space<hbm>>) target(%arg10 : memref<512xi32, #tpu.memory_space<vmem>>) target_semaphore(%arg19 : memref<!tpu.dma_semaphore, #tpu.memory_space<semaphore_mem>>)
      %dma_wait3A_234 = arith.constant 0 : i32
      %dma_wait3A_235 = arith.constant 0 : i32
      %dma_wait3A_236 = tpu.memref_slice %arg2[%dma_wait3A_234, %dma_wait3A_235] : memref<50000x16xf32, #tpu.memory_space<hbm>> -> memref<50000x16xf32, #tpu.memory_space<hbm>>
      tpu.wait_indirect_dma semaphore(%arg17 : memref<!tpu.dma_semaphore, #tpu.memory_space<semaphore_mem>>) src(%dma_wait3A_236 : memref<50000x16xf32, #tpu.memory_space<hbm>>) dst(%arg11 : memref<1024x16xf32, #tpu.memory_space<vmem>>)
      %parallel_loop3A_237 = arith.constant 0 : i32
      %parallel_loop3A_238 = arith.constant 512 : i32
      %parallel_loop3A_239 = arith.constant 1 : i32
      scf.for %parallel_loop3A_267 = %parallel_loop3A_237 to %parallel_loop3A_238 step %parallel_loop3A_239  : i32 {
        %parallel_loop3A_268 = arith.index_cast %parallel_loop3A_267 : i32 to index
        %parallel_loop3A_269 = arith.constant 0 : index
        %parallel_loop3A_270 = tpu.vector_load %arg11[%parallel_loop3A_268, %parallel_loop3A_269] {strides = array<i32>} : memref<1024x16xf32, #tpu.memory_space<vmem>>, vector<1x16xf32>,
        %parallel_loop3A_271 = vector.shape_cast %parallel_loop3A_270 : vector<1x16xf32> to vector<16xf32>
        %parallel_loop3A_272 = arith.constant 512 : i32
        %parallel_loop3A_273 = arith.addi %parallel_loop3A_272, %parallel_loop3A_267 : i32
        %parallel_loop3A_274 = arith.index_cast %parallel_loop3A_273 : i32 to index
        %parallel_loop3A_275 = arith.constant 0 : index
        %parallel_loop3A_276 = tpu.vector_load %arg11[%parallel_loop3A_274, %parallel_loop3A_275] {strides = array<i32>} : memref<1024x16xf32, #tpu.memory_space<vmem>>, vector<1x16xf32>,
        %parallel_loop3A_277 = vector.shape_cast %parallel_loop3A_276 : vector<1x16xf32> to vector<16xf32>
        %parallel_loop3A_278 = arith.addf %parallel_loop3A_271, %parallel_loop3A_277 : vector<16xf32>
        %parallel_loop3A_279 = arith.constant 0 : i32
        %parallel_loop3A_280 = vector.broadcast %parallel_loop3A_279 : i32 to vector<16xi32>
        %parallel_loop3A_281 = arith.cmpi slt, %add3A_10, %parallel_loop3A_280 : vector<16xi32>
        %parallel_loop3A_282 = arith.constant 16 : i32
        %parallel_loop3A_283 = vector.broadcast %parallel_loop3A_282 : i32 to vector<16xi32>
        %parallel_loop3A_284 = arith.addi %add3A_10, %parallel_loop3A_283 : vector<16xi32>
        %parallel_loop3A_285 = arith.select %parallel_loop3A_281, %parallel_loop3A_284, %add3A_10 : vector<16xi1>, vector<16xi32>
        %parallel_loop3A_286 = vector.shape_cast %parallel_loop3A_285 : vector<16xi32> to vector<16x1xi32>
        %parallel_loop3A_287 = vector.shape_cast %parallel_loop3A_286 : vector<16x1xi32> to vector<16xi32>
        %parallel_loop3A_288 = tpu.dynamic_gather %parallel_loop3A_278[%parallel_loop3A_287] in [0] : vector<16xf32>, vector<16xi32> -> vector<16xf32>
        %parallel_loop3A_289 = arith.subf %parallel_loop3A_271, %parallel_loop3A_277 : vector<16xf32>
        %parallel_loop3A_290 = arith.mulf %parallel_loop3A_289, %parallel_loop3A_288 : vector<16xf32>
        %parallel_loop3A_291 = arith.index_cast %parallel_loop3A_267 : i32 to index
        %parallel_loop3A_292 = arith.constant 0 : index
        %parallel_loop3A_293 = tpu.vector_load %arg13[%parallel_loop3A_291, %parallel_loop3A_292] {strides = array<i32>} : memref<512x16xf32, #tpu.memory_space<vmem>>, vector<1x16xf32>,
        %parallel_loop3A_294 = vector.shape_cast %parallel_loop3A_293 : vector<1x16xf32> to vector<16xf32>
        %parallel_loop3A_295 = vector.shape_cast %parallel_loop3A_290 : vector<16xf32> to vector<1x16xf32>
        tpu.vector_store %arg13[%parallel_loop3A_291, %parallel_loop3A_292], %parallel_loop3A_295 {strides = array<i32>} : memref<512x16xf32, #tpu.memory_space<vmem>>, vector<1x16xf32>,
      } {sc.loop_unroll_factor = 16 : i64, sc.parallel_access}
      %add3A_240 = arith.constant 2 : i32
      %add3A_241 = arith.addi %add3A_214, %add3A_240 : i32
      %mul3A_242 = arith.constant 512 : i32
      %mul3A_243 = arith.muli %add3A_241, %mul3A_242 : i32
      %add3A_244 = arith.addi %mul3A_4, %mul3A_243 : i32
      %min3A_245 = arith.constant 1605120 : i32
      %min3A_246 = arith.minsi %add3A_244, %min3A_245 : i32
      %dma_start3A_247 = arith.constant 0 : i32
      %dma_start3A_248 = tpu.memref_slice %arg7[%dma_start3A_247] : memref<1024xi32, #tpu.memory_space<vmem>> -> memref<512xi32, #tpu.memory_space<vmem>>
      %dma_start3A_249 = tpu.memref_slice %arg3[%min3A_246] : memref<1605632xi32, #tpu.memory_space<hbm>> -> memref<512xi32, #tpu.memory_space<hbm>>
      %dma_start3A_250 = arith.constant 0 : i32
      %dma_start3A_251 = tpu.memref_slice %arg7[%dma_start3A_250] : memref<1024xi32, #tpu.memory_space<vmem>> -> memref<512xi32, #tpu.memory_space<vmem>>
      %dma_start3A_252 = tpu.memref_slice %arg3[%min3A_246] : memref<1605632xi32, #tpu.memory_space<hbm>> -> memref<512xi32, #tpu.memory_space<hbm>>
      tpu.enqueue_dma source(%dma_start3A_252 : memref<512xi32, #tpu.memory_space<hbm>>) target(%dma_start3A_251 : memref<512xi32, #tpu.memory_space<vmem>>) target_semaphore(%arg18 : memref<!tpu.dma_semaphore, #tpu.memory_space<semaphore_mem>>)
      %dma_start3A_253 = arith.constant 512 : i32
      %dma_start3A_254 = tpu.memref_slice %arg7[%dma_start3A_253] : memref<1024xi32, #tpu.memory_space<vmem>> -> memref<512xi32, #tpu.memory_space<vmem>>
      %dma_start3A_255 = tpu.memref_slice %arg4[%min3A_246] : memref<1605632xi32, #tpu.memory_space<hbm>> -> memref<512xi32, #tpu.memory_space<hbm>>
      %dma_start3A_256 = arith.constant 512 : i32
      %dma_start3A_257 = tpu.memref_slice %arg7[%dma_start3A_256] : memref<1024xi32, #tpu.memory_space<vmem>> -> memref<512xi32, #tpu.memory_space<vmem>>
      %dma_start3A_258 = tpu.memref_slice %arg4[%min3A_246] : memref<1605632xi32, #tpu.memory_space<hbm>> -> memref<512xi32, #tpu.memory_space<hbm>>
      tpu.enqueue_dma source(%dma_start3A_258 : memref<512xi32, #tpu.memory_space<hbm>>) target(%dma_start3A_257 : memref<512xi32, #tpu.memory_space<vmem>>) target_semaphore(%arg18 : memref<!tpu.dma_semaphore, #tpu.memory_space<semaphore_mem>>)
      %dma_wait3A_259 = arith.constant 0 : i32
      %dma_wait3A_260 = tpu.memref_slice %arg4[%dma_wait3A_259] : memref<1605632xi32, #tpu.memory_space<hbm>> -> memref<512xi32, #tpu.memory_space<hbm>>
      %dma_wait3A_261 = arith.constant 0 : i32
      %dma_wait3A_262 = tpu.memref_slice %arg4[%dma_wait3A_261] : memref<1605632xi32, #tpu.memory_space<hbm>> -> memref<512xi32, #tpu.memory_space<hbm>>
      tpu.wait_dma2 semaphore(%arg19 : memref<!tpu.dma_semaphore, #tpu.memory_space<semaphore_mem>>) src(%dma_wait3A_262 : memref<512xi32, #tpu.memory_space<hbm>>) dst(%arg9 : memref<512xi32, #tpu.memory_space<vmem>>)
      %dma_start3A_263 = arith.constant 0 : i32
      %dma_start3A_264 = arith.constant 0 : i32
      %dma_start3A_265 = tpu.memref_slice %arg15[%dma_start3A_263, %dma_start3A_264] : memref<50048x16xf32, #tpu.memory_space<vmem_shared>> -> memref<50048x16xf32, #tpu.memory_space<vmem_shared>>
      tpu.enqueue_indirect_dma source(%arg13 : memref<512x16xf32, #tpu.memory_space<vmem>>) target(%dma_start3A_265 : memref<50048x16xf32, #tpu.memory_space<vmem_shared>>) offsets(%arg9 : memref<512xi32, #tpu.memory_space<vmem>>) semaphore(%arg20 : memref<!tpu.dma_semaphore, #tpu.memory_space<semaphore_mem>>) {add = true}
      %scan3A_266 = arith.constant 0 : i32
      scf.yield %scan3A_266 : i32
    }
    %scan3A_99 = arith.constant 48 : i32
    %dma_wait3A_100 = arith.constant 0 : i32
    %dma_wait3A_101 = arith.constant 0 : i32
    %dma_wait3A_102 = tpu.memref_slice %arg15[%dma_wait3A_100, %dma_wait3A_101] : memref<50048x16xf32, #tpu.memory_space<vmem_shared>> -> memref<50048x16xf32, #tpu.memory_space<vmem_shared>>
    tpu.wait_indirect_dma semaphore(%arg20 : memref<!tpu.dma_semaphore, #tpu.memory_space<semaphore_mem>>) src(%arg13 : memref<512x16xf32, #tpu.memory_space<vmem>>) dst(%dma_wait3A_102 : memref<50048x16xf32, #tpu.memory_space<vmem_shared>>)
    %dma_wait3A_103 = arith.constant 0 : i32
    %dma_wait3A_104 = arith.constant 0 : i32
    %dma_wait3A_105 = tpu.memref_slice %arg2[%dma_wait3A_103, %dma_wait3A_104] : memref<50000x16xf32, #tpu.memory_space<hbm>> -> memref<50000x16xf32, #tpu.memory_space<hbm>>
    tpu.wait_indirect_dma semaphore(%arg17 : memref<!tpu.dma_semaphore, #tpu.memory_space<semaphore_mem>>) src(%dma_wait3A_105 : memref<50000x16xf32, #tpu.memory_space<hbm>>) dst(%arg12 : memref<1024x16xf32, #tpu.memory_space<vmem>>)
    %parallel_loop3A_106 = arith.constant 0 : i32
    %parallel_loop3A_107 = arith.constant 512 : i32
    %parallel_loop3A_108 = arith.constant 1 : i32
    scf.for %parallel_loop3A_156 = %parallel_loop3A_106 to %parallel_loop3A_107 step %parallel_loop3A_108  : i32 {
      %parallel_loop3A_157 = arith.index_cast %parallel_loop3A_156 : i32 to index
      %parallel_loop3A_158 = arith.constant 0 : index
      %parallel_loop3A_159 = tpu.vector_load %arg12[%parallel_loop3A_157, %parallel_loop3A_158] {strides = array<i32>} : memref<1024x16xf32, #tpu.memory_space<vmem>>, vector<1x16xf32>,
      %parallel_loop3A_160 = vector.shape_cast %parallel_loop3A_159 : vector<1x16xf32> to vector<16xf32>
      %parallel_loop3A_161 = arith.constant 512 : i32
      %parallel_loop3A_162 = arith.addi %parallel_loop3A_161, %parallel_loop3A_156 : i32
      %parallel_loop3A_163 = arith.index_cast %parallel_loop3A_162 : i32 to index
      %parallel_loop3A_164 = arith.constant 0 : index
      %parallel_loop3A_165 = tpu.vector_load %arg12[%parallel_loop3A_163, %parallel_loop3A_164] {strides = array<i32>} : memref<1024x16xf32, #tpu.memory_space<vmem>>, vector<1x16xf32>,
      %parallel_loop3A_166 = vector.shape_cast %parallel_loop3A_165 : vector<1x16xf32> to vector<16xf32>
      %parallel_loop3A_167 = arith.addf %parallel_loop3A_160, %parallel_loop3A_166 : vector<16xf32>
      %parallel_loop3A_168 = arith.constant 0 : i32
      %parallel_loop3A_169 = vector.broadcast %parallel_loop3A_168 : i32 to vector<16xi32>
      %parallel_loop3A_170 = arith.cmpi slt, %add3A_10, %parallel_loop3A_169 : vector<16xi32>
      %parallel_loop3A_171 = arith.constant 16 : i32
      %parallel_loop3A_172 = vector.broadcast %parallel_loop3A_171 : i32 to vector<16xi32>
      %parallel_loop3A_173 = arith.addi %add3A_10, %parallel_loop3A_172 : vector<16xi32>
      %parallel_loop3A_174 = arith.select %parallel_loop3A_170, %parallel_loop3A_173, %add3A_10 : vector<16xi1>, vector<16xi32>
      %parallel_loop3A_175 = vector.shape_cast %parallel_loop3A_174 : vector<16xi32> to vector<16x1xi32>
      %parallel_loop3A_176 = vector.shape_cast %parallel_loop3A_175 : vector<16x1xi32> to vector<16xi32>
      %parallel_loop3A_177 = tpu.dynamic_gather %parallel_loop3A_167[%parallel_loop3A_176] in [0] : vector<16xf32>, vector<16xi32> -> vector<16xf32>
      %parallel_loop3A_178 = arith.subf %parallel_loop3A_160, %parallel_loop3A_166 : vector<16xf32>
      %parallel_loop3A_179 = arith.mulf %parallel_loop3A_178, %parallel_loop3A_177 : vector<16xf32>
      %parallel_loop3A_180 = arith.index_cast %parallel_loop3A_156 : i32 to index
      %parallel_loop3A_181 = arith.constant 0 : index
      %parallel_loop3A_182 = tpu.vector_load %arg14[%parallel_loop3A_180, %parallel_loop3A_181] {strides = array<i32>} : memref<512x16xf32, #tpu.memory_space<vmem>>, vector<1x16xf32>,
      %parallel_loop3A_183 = vector.shape_cast %parallel_loop3A_182 : vector<1x16xf32> to vector<16xf32>
      %parallel_loop3A_184 = vector.shape_cast %parallel_loop3A_179 : vector<16xf32> to vector<1x16xf32>
      tpu.vector_store %arg14[%parallel_loop3A_180, %parallel_loop3A_181], %parallel_loop3A_184 {strides = array<i32>} : memref<512x16xf32, #tpu.memory_space<vmem>>, vector<1x16xf32>,
    } {sc.loop_unroll_factor = 16 : i64, sc.parallel_access}
    %dma_wait3A_109 = arith.constant 0 : i32
    %dma_wait3A_110 = tpu.memref_slice %arg4[%dma_wait3A_109] : memref<1605632xi32, #tpu.memory_space<hbm>> -> memref<512xi32, #tpu.memory_space<hbm>>
    %dma_wait3A_111 = arith.constant 0 : i32
    %dma_wait3A_112 = tpu.memref_slice %arg4[%dma_wait3A_111] : memref<1605632xi32, #tpu.memory_space<hbm>> -> memref<512xi32, #tpu.memory_space<hbm>>
    tpu.wait_dma2 semaphore(%arg19 : memref<!tpu.dma_semaphore, #tpu.memory_space<semaphore_mem>>) src(%dma_wait3A_112 : memref<512xi32, #tpu.memory_space<hbm>>) dst(%arg10 : memref<512xi32, #tpu.memory_space<vmem>>)
    %dma_start3A_113 = arith.constant 0 : i32
    %dma_start3A_114 = arith.constant 0 : i32
    %dma_start3A_115 = tpu.memref_slice %arg15[%dma_start3A_113, %dma_start3A_114] : memref<50048x16xf32, #tpu.memory_space<vmem_shared>> -> memref<50048x16xf32, #tpu.memory_space<vmem_shared>>
    tpu.enqueue_indirect_dma source(%arg14 : memref<512x16xf32, #tpu.memory_space<vmem>>) target(%dma_start3A_115 : memref<50048x16xf32, #tpu.memory_space<vmem_shared>>) offsets(%arg10 : memref<512xi32, #tpu.memory_space<vmem>>) semaphore(%arg20 : memref<!tpu.dma_semaphore, #tpu.memory_space<semaphore_mem>>) {add = true}
    %dma_wait3A_116 = arith.constant 0 : i32
    %dma_wait3A_117 = arith.constant 0 : i32
    %dma_wait3A_118 = tpu.memref_slice %arg15[%dma_wait3A_116, %dma_wait3A_117] : memref<50048x16xf32, #tpu.memory_space<vmem_shared>> -> memref<50048x16xf32, #tpu.memory_space<vmem_shared>>
    tpu.wait_indirect_dma semaphore(%arg20 : memref<!tpu.dma_semaphore, #tpu.memory_space<semaphore_mem>>) src(%arg14 : memref<512x16xf32, #tpu.memory_space<vmem>>) dst(%dma_wait3A_118 : memref<50048x16xf32, #tpu.memory_space<vmem_shared>>)
    %dma_wait3A_119 = arith.constant 0 : i32
    %dma_wait3A_120 = tpu.memref_slice %arg3[%dma_wait3A_119] : memref<1605632xi32, #tpu.memory_space<hbm>> -> memref<1024xi32, #tpu.memory_space<hbm>>
    %dma_wait3A_121 = arith.constant 0 : i32
    %dma_wait3A_122 = tpu.memref_slice %arg3[%dma_wait3A_121] : memref<1605632xi32, #tpu.memory_space<hbm>> -> memref<1024xi32, #tpu.memory_space<hbm>>
    tpu.wait_dma2 semaphore(%arg18 : memref<!tpu.dma_semaphore, #tpu.memory_space<semaphore_mem>>) src(%dma_wait3A_122 : memref<1024xi32, #tpu.memory_space<hbm>>) dst(%arg7 : memref<1024xi32, #tpu.memory_space<vmem>>)
    %barrier3A_123 = arith.constant 0 : index
    tpu.barrier barrier_id(%barrier3A_123)
    %mul3A_124 = arith.constant 3128 : i32
    %mul3A_125 = arith.muli %arg1, %mul3A_124 : i32
    %add3A_126 = arith.constant 0 : i32
    %add3A_127 = arith.addi %mul3A_125, %add3A_126 : i32
    "tpu.region"() ({
      %run_scoped3A = tpu.sem_alloc : memref<!tpu.dma_semaphore, #tpu.memory_space<semaphore_mem>>
      %dma_start3A_156 = arith.constant 0 : i32
      %dma_start3A_157 = tpu.memref_slice %arg15[%add3A_127, %dma_start3A_156] : memref<50048x16xf32, #tpu.memory_space<vmem_shared>> -> memref<391x16xf32, #tpu.memory_space<vmem_shared>>
      %dma_start3A_158 = arith.constant 0 : i32
      %dma_start3A_159 = tpu.memref_slice %arg15[%add3A_127, %dma_start3A_158] : memref<50048x16xf32, #tpu.memory_space<vmem_shared>> -> memref<391x16xf32, #tpu.memory_space<vmem_shared>>
      tpu.enqueue_dma source(%dma_start3A_159 : memref<391x16xf32, #tpu.memory_space<vmem_shared>>) target(%arg16 : memref<391x16xf32, #tpu.memory_space<vmem>>) target_semaphore(%run_scoped3A : memref<!tpu.dma_semaphore, #tpu.memory_space<semaphore_mem>>)
      %dma_wait3A_160 = arith.constant 0 : i32
      %dma_wait3A_161 = tpu.memref_slice %arg15[%add3A_127, %dma_wait3A_160] : memref<50048x16xf32, #tpu.memory_space<vmem_shared>> -> memref<391x16xf32, #tpu.memory_space<vmem_shared>>
      %dma_wait3A_162 = arith.constant 0 : i32
      %dma_wait3A_163 = tpu.memref_slice %arg15[%add3A_127, %dma_wait3A_162] : memref<50048x16xf32, #tpu.memory_space<vmem_shared>> -> memref<391x16xf32, #tpu.memory_space<vmem_shared>>
      tpu.wait_dma2 semaphore(%run_scoped3A : memref<!tpu.dma_semaphore, #tpu.memory_space<semaphore_mem>>) src(%dma_wait3A_163 : memref<391x16xf32, #tpu.memory_space<vmem_shared>>) dst(%arg16 : memref<391x16xf32, #tpu.memory_space<vmem>>)
      tpu.yield
    }) : () -> ()
    "tpu.region"() ({
      %run_scoped3A = tpu.sem_alloc : memref<!tpu.dma_semaphore, #tpu.memory_space<semaphore_mem>>
      %dma_start3A_156 = arith.constant 0 : i32
      %dma_start3A_157 = arith.constant 0 : i32
      %dma_start3A_158 = tpu.memref_slice %arg16[%dma_start3A_156, %dma_start3A_157] : memref<391x16xf32, #tpu.memory_space<vmem>> -> memref<391x8xf32, #tpu.memory_space<vmem>>
      %dma_start3A_159 = arith.constant 0 : i32
      %dma_start3A_160 = tpu.memref_slice %arg6[%arg0, %add3A_127, %dma_start3A_159] : memref<2x50048x8xf32, #tpu.memory_space<hbm>> -> memref<1x391x8xf32, #tpu.memory_space<hbm>>
      %dma_start3A_161 = tpu.memref_squeeze %dma_start3A_160 : memref<1x391x8xf32, #tpu.memory_space<hbm>> -> memref<391x8xf32, #tpu.memory_space<hbm>>
      %dma_start3A_162 = arith.constant 0 : i32
      %dma_start3A_163 = tpu.memref_slice %arg6[%arg0, %add3A_127, %dma_start3A_162] : memref<2x50048x8xf32, #tpu.memory_space<hbm>> -> memref<1x391x8xf32, #tpu.memory_space<hbm>>
      %dma_start3A_164 = tpu.memref_squeeze %dma_start3A_163 : memref<1x391x8xf32, #tpu.memory_space<hbm>> -> memref<391x8xf32, #tpu.memory_space<hbm>>
      %dma_start3A_165 = arith.constant 0 : i32
      %dma_start3A_166 = arith.constant 0 : i32
      %dma_start3A_167 = tpu.memref_slice %arg16[%dma_start3A_165, %dma_start3A_166] : memref<391x16xf32, #tpu.memory_space<vmem>> -> memref<391x8xf32, #tpu.memory_space<vmem>>
      tpu.enqueue_dma source(%dma_start3A_167 : memref<391x8xf32, #tpu.memory_space<vmem>>) target(%dma_start3A_164 : memref<391x8xf32, #tpu.memory_space<hbm>>) target_semaphore(%run_scoped3A : memref<!tpu.dma_semaphore, #tpu.memory_space<semaphore_mem>>)
      %dma_wait3A_168 = arith.constant 0 : i32
      %dma_wait3A_169 = arith.constant 0 : i32
      %dma_wait3A_170 = tpu.memref_slice %arg16[%dma_wait3A_168, %dma_wait3A_169] : memref<391x16xf32, #tpu.memory_space<vmem>> -> memref<391x8xf32, #tpu.memory_space<vmem>>
      %dma_wait3A_171 = arith.constant 0 : i32
      %dma_wait3A_172 = tpu.memref_slice %arg6[%arg0, %add3A_127, %dma_wait3A_171] : memref<2x50048x8xf32, #tpu.memory_space<hbm>> -> memref<1x391x8xf32, #tpu.memory_space<hbm>>
      %dma_wait3A_173 = tpu.memref_squeeze %dma_wait3A_172 : memref<1x391x8xf32, #tpu.memory_space<hbm>> -> memref<391x8xf32, #tpu.memory_space<hbm>>
      %dma_wait3A_174 = arith.constant 0 : i32
      %dma_wait3A_175 = tpu.memref_slice %arg6[%arg0, %add3A_127, %dma_wait3A_174] : memref<2x50048x8xf32, #tpu.memory_space<hbm>> -> memref<1x391x8xf32, #tpu.memory_space<hbm>>
      %dma_wait3A_176 = tpu.memref_squeeze %dma_wait3A_175 : memref<1x391x8xf32, #tpu.memory_space<hbm>> -> memref<391x8xf32, #tpu.memory_space<hbm>>
      %dma_wait3A_177 = arith.constant 0 : i32
      %dma_wait3A_178 = arith.constant 0 : i32
      %dma_wait3A_179 = tpu.memref_slice %arg16[%dma_wait3A_177, %dma_wait3A_178] : memref<391x16xf32, #tpu.memory_space<vmem>> -> memref<391x8xf32, #tpu.memory_space<vmem>>
      tpu.wait_dma2 semaphore(%run_scoped3A : memref<!tpu.dma_semaphore, #tpu.memory_space<semaphore_mem>>) src(%dma_wait3A_179 : memref<391x8xf32, #tpu.memory_space<vmem>>) dst(%dma_wait3A_176 : memref<391x8xf32, #tpu.memory_space<hbm>>)
      tpu.yield
    }) : () -> ()
    %mul3A_128 = arith.constant 3128 : i32
    %mul3A_129 = arith.muli %arg1, %mul3A_128 : i32
    %add3A_130 = arith.constant 391 : i32
    %add3A_131 = arith.addi %mul3A_129, %add3A_130 : i32
    "tpu.region"() ({
      %run_scoped3A = tpu.sem_alloc : memref<!tpu.dma_semaphore, #tpu.memory_space<semaphore_mem>>
      %dma_start3A_156 = arith.constant 0 : i32
      %dma_start3A_157 = tpu.memref_slice %arg15[%add3A_131, %dma_start3A_156] : memref<50048x16xf32, #tpu.memory_space<vmem_shared>> -> memref<391x16xf32, #tpu.memory_space<vmem_shared>>
      %dma_start3A_158 = arith.constant 0 : i32
      %dma_start3A_159 = tpu.memref_slice %arg15[%add3A_131, %dma_start3A_158] : memref<50048x16xf32, #tpu.memory_space<vmem_shared>> -> memref<391x16xf32, #tpu.memory_space<vmem_shared>>
      tpu.enqueue_dma source(%dma_start3A_159 : memref<391x16xf32, #tpu.memory_space<vmem_shared>>) target(%arg16 : memref<391x16xf32, #tpu.memory_space<vmem>>) target_semaphore(%run_scoped3A : memref<!tpu.dma_semaphore, #tpu.memory_space<semaphore_mem>>)
      %dma_wait3A_160 = arith.constant 0 : i32
      %dma_wait3A_161 = tpu.memref_slice %arg15[%add3A_131, %dma_wait3A_160] : memref<50048x16xf32, #tpu.memory_space<vmem_shared>> -> memref<391x16xf32, #tpu.memory_space<vmem_shared>>
      %dma_wait3A_162 = arith.constant 0 : i32
      %dma_wait3A_163 = tpu.memref_slice %arg15[%add3A_131, %dma_wait3A_162] : memref<50048x16xf32, #tpu.memory_space<vmem_shared>> -> memref<391x16xf32, #tpu.memory_space<vmem_shared>>
      tpu.wait_dma2 semaphore(%run_scoped3A : memref<!tpu.dma_semaphore, #tpu.memory_space<semaphore_mem>>) src(%dma_wait3A_163 : memref<391x16xf32, #tpu.memory_space<vmem_shared>>) dst(%arg16 : memref<391x16xf32, #tpu.memory_space<vmem>>)
      tpu.yield
    }) : () -> ()
    "tpu.region"() ({
      %run_scoped3A = tpu.sem_alloc : memref<!tpu.dma_semaphore, #tpu.memory_space<semaphore_mem>>
      %dma_start3A_156 = arith.constant 0 : i32
      %dma_start3A_157 = arith.constant 0 : i32
      %dma_start3A_158 = tpu.memref_slice %arg16[%dma_start3A_156, %dma_start3A_157] : memref<391x16xf32, #tpu.memory_space<vmem>> -> memref<391x8xf32, #tpu.memory_space<vmem>>
      %dma_start3A_159 = arith.constant 0 : i32
      %dma_start3A_160 = tpu.memref_slice %arg6[%arg0, %add3A_131, %dma_start3A_159] : memref<2x50048x8xf32, #tpu.memory_space<hbm>> -> memref<1x391x8xf32, #tpu.memory_space<hbm>>
      %dma_start3A_161 = tpu.memref_squeeze %dma_start3A_160 : memref<1x391x8xf32, #tpu.memory_space<hbm>> -> memref<391x8xf32, #tpu.memory_space<hbm>>
      %dma_start3A_162 = arith.constant 0 : i32
      %dma_start3A_163 = tpu.memref_slice %arg6[%arg0, %add3A_131, %dma_start3A_162] : memref<2x50048x8xf32, #tpu.memory_space<hbm>> -> memref<1x391x8xf32, #tpu.memory_space<hbm>>
      %dma_start3A_164 = tpu.memref_squeeze %dma_start3A_163 : memref<1x391x8xf32, #tpu.memory_space<hbm>> -> memref<391x8xf32, #tpu.memory_space<hbm>>
      %dma_start3A_165 = arith.constant 0 : i32
      %dma_start3A_166 = arith.constant 0 : i32
      %dma_start3A_167 = tpu.memref_slice %arg16[%dma_start3A_165, %dma_start3A_166] : memref<391x16xf32, #tpu.memory_space<vmem>> -> memref<391x8xf32, #tpu.memory_space<vmem>>
      tpu.enqueue_dma source(%dma_start3A_167 : memref<391x8xf32, #tpu.memory_space<vmem>>) target(%dma_start3A_164 : memref<391x8xf32, #tpu.memory_space<hbm>>) target_semaphore(%run_scoped3A : memref<!tpu.dma_semaphore, #tpu.memory_space<semaphore_mem>>)
      %dma_wait3A_168 = arith.constant 0 : i32
      %dma_wait3A_169 = arith.constant 0 : i32
      %dma_wait3A_170 = tpu.memref_slice %arg16[%dma_wait3A_168, %dma_wait3A_169] : memref<391x16xf32, #tpu.memory_space<vmem>> -> memref<391x8xf32, #tpu.memory_space<vmem>>
      %dma_wait3A_171 = arith.constant 0 : i32
      %dma_wait3A_172 = tpu.memref_slice %arg6[%arg0, %add3A_131, %dma_wait3A_171] : memref<2x50048x8xf32, #tpu.memory_space<hbm>> -> memref<1x391x8xf32, #tpu.memory_space<hbm>>
      %dma_wait3A_173 = tpu.memref_squeeze %dma_wait3A_172 : memref<1x391x8xf32, #tpu.memory_space<hbm>> -> memref<391x8xf32, #tpu.memory_space<hbm>>
      %dma_wait3A_174 = arith.constant 0 : i32
      %dma_wait3A_175 = tpu.memref_slice %arg6[%arg0, %add3A_131, %dma_wait3A_174] : memref<2x50048x8xf32, #tpu.memory_space<hbm>> -> memref<1x391x8xf32, #tpu.memory_space<hbm>>
      %dma_wait3A_176 = tpu.memref_squeeze %dma_wait3A_175 : memref<1x391x8xf32, #tpu.memory_space<hbm>> -> memref<391x8xf32, #tpu.memory_space<hbm>>
      %dma_wait3A_177 = arith.constant 0 : i32
      %dma_wait3A_178 = arith.constant 0 : i32
      %dma_wait3A_179 = tpu.memref_slice %arg16[%dma_wait3A_177, %dma_wait3A_178] : memref<391x16xf32, #tpu.memory_space<vmem>> -> memref<391x8xf32, #tpu.memory_space<vmem>>
      tpu.wait_dma2 semaphore(%run_scoped3A : memref<!tpu.dma_semaphore, #tpu.memory_space<semaphore_mem>>) src(%dma_wait3A_179 : memref<391x8xf32, #tpu.memory_space<vmem>>) dst(%dma_wait3A_176 : memref<391x8xf32, #tpu.memory_space<hbm>>)
      tpu.yield
    }) : () -> ()
    %mul3A_132 = arith.constant 3128 : i32
    %mul3A_133 = arith.muli %arg1, %mul3A_132 : i32
    %add3A_134 = arith.constant 782 : i32
    %add3A_135 = arith.addi %mul3A_133, %add3A_134 : i32
    "tpu.region"() ({
      %run_scoped3A = tpu.sem_alloc : memref<!tpu.dma_semaphore, #tpu.memory_space<semaphore_mem>>
      %dma_start3A_156 = arith.constant 0 : i32
      %dma_start3A_157 = tpu.memref_slice %arg15[%add3A_135, %dma_start3A_156] : memref<50048x16xf32, #tpu.memory_space<vmem_shared>> -> memref<391x16xf32, #tpu.memory_space<vmem_shared>>
      %dma_start3A_158 = arith.constant 0 : i32
      %dma_start3A_159 = tpu.memref_slice %arg15[%add3A_135, %dma_start3A_158] : memref<50048x16xf32, #tpu.memory_space<vmem_shared>> -> memref<391x16xf32, #tpu.memory_space<vmem_shared>>
      tpu.enqueue_dma source(%dma_start3A_159 : memref<391x16xf32, #tpu.memory_space<vmem_shared>>) target(%arg16 : memref<391x16xf32, #tpu.memory_space<vmem>>) target_semaphore(%run_scoped3A : memref<!tpu.dma_semaphore, #tpu.memory_space<semaphore_mem>>)
      %dma_wait3A_160 = arith.constant 0 : i32
      %dma_wait3A_161 = tpu.memref_slice %arg15[%add3A_135, %dma_wait3A_160] : memref<50048x16xf32, #tpu.memory_space<vmem_shared>> -> memref<391x16xf32, #tpu.memory_space<vmem_shared>>
      %dma_wait3A_162 = arith.constant 0 : i32
      %dma_wait3A_163 = tpu.memref_slice %arg15[%add3A_135, %dma_wait3A_162] : memref<50048x16xf32, #tpu.memory_space<vmem_shared>> -> memref<391x16xf32, #tpu.memory_space<vmem_shared>>
      tpu.wait_dma2 semaphore(%run_scoped3A : memref<!tpu.dma_semaphore, #tpu.memory_space<semaphore_mem>>) src(%dma_wait3A_163 : memref<391x16xf32, #tpu.memory_space<vmem_shared>>) dst(%arg16 : memref<391x16xf32, #tpu.memory_space<vmem>>)
      tpu.yield
    }) : () -> ()
    "tpu.region"() ({
      %run_scoped3A = tpu.sem_alloc : memref<!tpu.dma_semaphore, #tpu.memory_space<semaphore_mem>>
      %dma_start3A_156 = arith.constant 0 : i32
      %dma_start3A_157 = arith.constant 0 : i32
      %dma_start3A_158 = tpu.memref_slice %arg16[%dma_start3A_156, %dma_start3A_157] : memref<391x16xf32, #tpu.memory_space<vmem>> -> memref<391x8xf32, #tpu.memory_space<vmem>>
      %dma_start3A_159 = arith.constant 0 : i32
      %dma_start3A_160 = tpu.memref_slice %arg6[%arg0, %add3A_135, %dma_start3A_159] : memref<2x50048x8xf32, #tpu.memory_space<hbm>> -> memref<1x391x8xf32, #tpu.memory_space<hbm>>
      %dma_start3A_161 = tpu.memref_squeeze %dma_start3A_160 : memref<1x391x8xf32, #tpu.memory_space<hbm>> -> memref<391x8xf32, #tpu.memory_space<hbm>>
      %dma_start3A_162 = arith.constant 0 : i32
      %dma_start3A_163 = tpu.memref_slice %arg6[%arg0, %add3A_135, %dma_start3A_162] : memref<2x50048x8xf32, #tpu.memory_space<hbm>> -> memref<1x391x8xf32, #tpu.memory_space<hbm>>
      %dma_start3A_164 = tpu.memref_squeeze %dma_start3A_163 : memref<1x391x8xf32, #tpu.memory_space<hbm>> -> memref<391x8xf32, #tpu.memory_space<hbm>>
      %dma_start3A_165 = arith.constant 0 : i32
      %dma_start3A_166 = arith.constant 0 : i32
      %dma_start3A_167 = tpu.memref_slice %arg16[%dma_start3A_165, %dma_start3A_166] : memref<391x16xf32, #tpu.memory_space<vmem>> -> memref<391x8xf32, #tpu.memory_space<vmem>>
      tpu.enqueue_dma source(%dma_start3A_167 : memref<391x8xf32, #tpu.memory_space<vmem>>) target(%dma_start3A_164 : memref<391x8xf32, #tpu.memory_space<hbm>>) target_semaphore(%run_scoped3A : memref<!tpu.dma_semaphore, #tpu.memory_space<semaphore_mem>>)
      %dma_wait3A_168 = arith.constant 0 : i32
      %dma_wait3A_169 = arith.constant 0 : i32
      %dma_wait3A_170 = tpu.memref_slice %arg16[%dma_wait3A_168, %dma_wait3A_169] : memref<391x16xf32, #tpu.memory_space<vmem>> -> memref<391x8xf32, #tpu.memory_space<vmem>>
      %dma_wait3A_171 = arith.constant 0 : i32
      %dma_wait3A_172 = tpu.memref_slice %arg6[%arg0, %add3A_135, %dma_wait3A_171] : memref<2x50048x8xf32, #tpu.memory_space<hbm>> -> memref<1x391x8xf32, #tpu.memory_space<hbm>>
      %dma_wait3A_173 = tpu.memref_squeeze %dma_wait3A_172 : memref<1x391x8xf32, #tpu.memory_space<hbm>> -> memref<391x8xf32, #tpu.memory_space<hbm>>
      %dma_wait3A_174 = arith.constant 0 : i32
      %dma_wait3A_175 = tpu.memref_slice %arg6[%arg0, %add3A_135, %dma_wait3A_174] : memref<2x50048x8xf32, #tpu.memory_space<hbm>> -> memref<1x391x8xf32, #tpu.memory_space<hbm>>
      %dma_wait3A_176 = tpu.memref_squeeze %dma_wait3A_175 : memref<1x391x8xf32, #tpu.memory_space<hbm>> -> memref<391x8xf32, #tpu.memory_space<hbm>>
      %dma_wait3A_177 = arith.constant 0 : i32
      %dma_wait3A_178 = arith.constant 0 : i32
      %dma_wait3A_179 = tpu.memref_slice %arg16[%dma_wait3A_177, %dma_wait3A_178] : memref<391x16xf32, #tpu.memory_space<vmem>> -> memref<391x8xf32, #tpu.memory_space<vmem>>
      tpu.wait_dma2 semaphore(%run_scoped3A : memref<!tpu.dma_semaphore, #tpu.memory_space<semaphore_mem>>) src(%dma_wait3A_179 : memref<391x8xf32, #tpu.memory_space<vmem>>) dst(%dma_wait3A_176 : memref<391x8xf32, #tpu.memory_space<hbm>>)
      tpu.yield
    }) : () -> ()
    %mul3A_136 = arith.constant 3128 : i32
    %mul3A_137 = arith.muli %arg1, %mul3A_136 : i32
    %add3A_138 = arith.constant 1173 : i32
    %add3A_139 = arith.addi %mul3A_137, %add3A_138 : i32
    "tpu.region"() ({
      %run_scoped3A = tpu.sem_alloc : memref<!tpu.dma_semaphore, #tpu.memory_space<semaphore_mem>>
      %dma_start3A_156 = arith.constant 0 : i32
      %dma_start3A_157 = tpu.memref_slice %arg15[%add3A_139, %dma_start3A_156] : memref<50048x16xf32, #tpu.memory_space<vmem_shared>> -> memref<391x16xf32, #tpu.memory_space<vmem_shared>>
      %dma_start3A_158 = arith.constant 0 : i32
      %dma_start3A_159 = tpu.memref_slice %arg15[%add3A_139, %dma_start3A_158] : memref<50048x16xf32, #tpu.memory_space<vmem_shared>> -> memref<391x16xf32, #tpu.memory_space<vmem_shared>>
      tpu.enqueue_dma source(%dma_start3A_159 : memref<391x16xf32, #tpu.memory_space<vmem_shared>>) target(%arg16 : memref<391x16xf32, #tpu.memory_space<vmem>>) target_semaphore(%run_scoped3A : memref<!tpu.dma_semaphore, #tpu.memory_space<semaphore_mem>>)
      %dma_wait3A_160 = arith.constant 0 : i32
      %dma_wait3A_161 = tpu.memref_slice %arg15[%add3A_139, %dma_wait3A_160] : memref<50048x16xf32, #tpu.memory_space<vmem_shared>> -> memref<391x16xf32, #tpu.memory_space<vmem_shared>>
      %dma_wait3A_162 = arith.constant 0 : i32
      %dma_wait3A_163 = tpu.memref_slice %arg15[%add3A_139, %dma_wait3A_162] : memref<50048x16xf32, #tpu.memory_space<vmem_shared>> -> memref<391x16xf32, #tpu.memory_space<vmem_shared>>
      tpu.wait_dma2 semaphore(%run_scoped3A : memref<!tpu.dma_semaphore, #tpu.memory_space<semaphore_mem>>) src(%dma_wait3A_163 : memref<391x16xf32, #tpu.memory_space<vmem_shared>>) dst(%arg16 : memref<391x16xf32, #tpu.memory_space<vmem>>)
      tpu.yield
    }) : () -> ()
    "tpu.region"() ({
      %run_scoped3A = tpu.sem_alloc : memref<!tpu.dma_semaphore, #tpu.memory_space<semaphore_mem>>
      %dma_start3A_156 = arith.constant 0 : i32
      %dma_start3A_157 = arith.constant 0 : i32
      %dma_start3A_158 = tpu.memref_slice %arg16[%dma_start3A_156, %dma_start3A_157] : memref<391x16xf32, #tpu.memory_space<vmem>> -> memref<391x8xf32, #tpu.memory_space<vmem>>
      %dma_start3A_159 = arith.constant 0 : i32
      %dma_start3A_160 = tpu.memref_slice %arg6[%arg0, %add3A_139, %dma_start3A_159] : memref<2x50048x8xf32, #tpu.memory_space<hbm>> -> memref<1x391x8xf32, #tpu.memory_space<hbm>>
      %dma_start3A_161 = tpu.memref_squeeze %dma_start3A_160 : memref<1x391x8xf32, #tpu.memory_space<hbm>> -> memref<391x8xf32, #tpu.memory_space<hbm>>
      %dma_start3A_162 = arith.constant 0 : i32
      %dma_start3A_163 = tpu.memref_slice %arg6[%arg0, %add3A_139, %dma_start3A_162] : memref<2x50048x8xf32, #tpu.memory_space<hbm>> -> memref<1x391x8xf32, #tpu.memory_space<hbm>>
      %dma_start3A_164 = tpu.memref_squeeze %dma_start3A_163 : memref<1x391x8xf32, #tpu.memory_space<hbm>> -> memref<391x8xf32, #tpu.memory_space<hbm>>
      %dma_start3A_165 = arith.constant 0 : i32
      %dma_start3A_166 = arith.constant 0 : i32
      %dma_start3A_167 = tpu.memref_slice %arg16[%dma_start3A_165, %dma_start3A_166] : memref<391x16xf32, #tpu.memory_space<vmem>> -> memref<391x8xf32, #tpu.memory_space<vmem>>
      tpu.enqueue_dma source(%dma_start3A_167 : memref<391x8xf32, #tpu.memory_space<vmem>>) target(%dma_start3A_164 : memref<391x8xf32, #tpu.memory_space<hbm>>) target_semaphore(%run_scoped3A : memref<!tpu.dma_semaphore, #tpu.memory_space<semaphore_mem>>)
      %dma_wait3A_168 = arith.constant 0 : i32
      %dma_wait3A_169 = arith.constant 0 : i32
      %dma_wait3A_170 = tpu.memref_slice %arg16[%dma_wait3A_168, %dma_wait3A_169] : memref<391x16xf32, #tpu.memory_space<vmem>> -> memref<391x8xf32, #tpu.memory_space<vmem>>
      %dma_wait3A_171 = arith.constant 0 : i32
      %dma_wait3A_172 = tpu.memref_slice %arg6[%arg0, %add3A_139, %dma_wait3A_171] : memref<2x50048x8xf32, #tpu.memory_space<hbm>> -> memref<1x391x8xf32, #tpu.memory_space<hbm>>
      %dma_wait3A_173 = tpu.memref_squeeze %dma_wait3A_172 : memref<1x391x8xf32, #tpu.memory_space<hbm>> -> memref<391x8xf32, #tpu.memory_space<hbm>>
      %dma_wait3A_174 = arith.constant 0 : i32
      %dma_wait3A_175 = tpu.memref_slice %arg6[%arg0, %add3A_139, %dma_wait3A_174] : memref<2x50048x8xf32, #tpu.memory_space<hbm>> -> memref<1x391x8xf32, #tpu.memory_space<hbm>>
      %dma_wait3A_176 = tpu.memref_squeeze %dma_wait3A_175 : memref<1x391x8xf32, #tpu.memory_space<hbm>> -> memref<391x8xf32, #tpu.memory_space<hbm>>
      %dma_wait3A_177 = arith.constant 0 : i32
      %dma_wait3A_178 = arith.constant 0 : i32
      %dma_wait3A_179 = tpu.memref_slice %arg16[%dma_wait3A_177, %dma_wait3A_178] : memref<391x16xf32, #tpu.memory_space<vmem>> -> memref<391x8xf32, #tpu.memory_space<vmem>>
      tpu.wait_dma2 semaphore(%run_scoped3A : memref<!tpu.dma_semaphore, #tpu.memory_space<semaphore_mem>>) src(%dma_wait3A_179 : memref<391x8xf32, #tpu.memory_space<vmem>>) dst(%dma_wait3A_176 : memref<391x8xf32, #tpu.memory_space<hbm>>)
      tpu.yield
    }) : () -> ()
    %mul3A_140 = arith.constant 3128 : i32
    %mul3A_141 = arith.muli %arg1, %mul3A_140 : i32
    %add3A_142 = arith.constant 1564 : i32
    %add3A_143 = arith.addi %mul3A_141, %add3A_142 : i32
    "tpu.region"() ({
      %run_scoped3A = tpu.sem_alloc : memref<!tpu.dma_semaphore, #tpu.memory_space<semaphore_mem>>
      %dma_start3A_156 = arith.constant 0 : i32
      %dma_start3A_157 = tpu.memref_slice %arg15[%add3A_143, %dma_start3A_156] : memref<50048x16xf32, #tpu.memory_space<vmem_shared>> -> memref<391x16xf32, #tpu.memory_space<vmem_shared>>
      %dma_start3A_158 = arith.constant 0 : i32
      %dma_start3A_159 = tpu.memref_slice %arg15[%add3A_143, %dma_start3A_158] : memref<50048x16xf32, #tpu.memory_space<vmem_shared>> -> memref<391x16xf32, #tpu.memory_space<vmem_shared>>
      tpu.enqueue_dma source(%dma_start3A_159 : memref<391x16xf32, #tpu.memory_space<vmem_shared>>) target(%arg16 : memref<391x16xf32, #tpu.memory_space<vmem>>) target_semaphore(%run_scoped3A : memref<!tpu.dma_semaphore, #tpu.memory_space<semaphore_mem>>)
      %dma_wait3A_160 = arith.constant 0 : i32
      %dma_wait3A_161 = tpu.memref_slice %arg15[%add3A_143, %dma_wait3A_160] : memref<50048x16xf32, #tpu.memory_space<vmem_shared>> -> memref<391x16xf32, #tpu.memory_space<vmem_shared>>
      %dma_wait3A_162 = arith.constant 0 : i32
      %dma_wait3A_163 = tpu.memref_slice %arg15[%add3A_143, %dma_wait3A_162] : memref<50048x16xf32, #tpu.memory_space<vmem_shared>> -> memref<391x16xf32, #tpu.memory_space<vmem_shared>>
      tpu.wait_dma2 semaphore(%run_scoped3A : memref<!tpu.dma_semaphore, #tpu.memory_space<semaphore_mem>>) src(%dma_wait3A_163 : memref<391x16xf32, #tpu.memory_space<vmem_shared>>) dst(%arg16 : memref<391x16xf32, #tpu.memory_space<vmem>>)
      tpu.yield
    }) : () -> ()
    "tpu.region"() ({
      %run_scoped3A = tpu.sem_alloc : memref<!tpu.dma_semaphore, #tpu.memory_space<semaphore_mem>>
      %dma_start3A_156 = arith.constant 0 : i32
      %dma_start3A_157 = arith.constant 0 : i32
      %dma_start3A_158 = tpu.memref_slice %arg16[%dma_start3A_156, %dma_start3A_157] : memref<391x16xf32, #tpu.memory_space<vmem>> -> memref<391x8xf32, #tpu.memory_space<vmem>>
      %dma_start3A_159 = arith.constant 0 : i32
      %dma_start3A_160 = tpu.memref_slice %arg6[%arg0, %add3A_143, %dma_start3A_159] : memref<2x50048x8xf32, #tpu.memory_space<hbm>> -> memref<1x391x8xf32, #tpu.memory_space<hbm>>
      %dma_start3A_161 = tpu.memref_squeeze %dma_start3A_160 : memref<1x391x8xf32, #tpu.memory_space<hbm>> -> memref<391x8xf32, #tpu.memory_space<hbm>>
      %dma_start3A_162 = arith.constant 0 : i32
      %dma_start3A_163 = tpu.memref_slice %arg6[%arg0, %add3A_143, %dma_start3A_162] : memref<2x50048x8xf32, #tpu.memory_space<hbm>> -> memref<1x391x8xf32, #tpu.memory_space<hbm>>
      %dma_start3A_164 = tpu.memref_squeeze %dma_start3A_163 : memref<1x391x8xf32, #tpu.memory_space<hbm>> -> memref<391x8xf32, #tpu.memory_space<hbm>>
      %dma_start3A_165 = arith.constant 0 : i32
      %dma_start3A_166 = arith.constant 0 : i32
      %dma_start3A_167 = tpu.memref_slice %arg16[%dma_start3A_165, %dma_start3A_166] : memref<391x16xf32, #tpu.memory_space<vmem>> -> memref<391x8xf32, #tpu.memory_space<vmem>>
      tpu.enqueue_dma source(%dma_start3A_167 : memref<391x8xf32, #tpu.memory_space<vmem>>) target(%dma_start3A_164 : memref<391x8xf32, #tpu.memory_space<hbm>>) target_semaphore(%run_scoped3A : memref<!tpu.dma_semaphore, #tpu.memory_space<semaphore_mem>>)
      %dma_wait3A_168 = arith.constant 0 : i32
      %dma_wait3A_169 = arith.constant 0 : i32
      %dma_wait3A_170 = tpu.memref_slice %arg16[%dma_wait3A_168, %dma_wait3A_169] : memref<391x16xf32, #tpu.memory_space<vmem>> -> memref<391x8xf32, #tpu.memory_space<vmem>>
      %dma_wait3A_171 = arith.constant 0 : i32
      %dma_wait3A_172 = tpu.memref_slice %arg6[%arg0, %add3A_143, %dma_wait3A_171] : memref<2x50048x8xf32, #tpu.memory_space<hbm>> -> memref<1x391x8xf32, #tpu.memory_space<hbm>>
      %dma_wait3A_173 = tpu.memref_squeeze %dma_wait3A_172 : memref<1x391x8xf32, #tpu.memory_space<hbm>> -> memref<391x8xf32, #tpu.memory_space<hbm>>
      %dma_wait3A_174 = arith.constant 0 : i32
      %dma_wait3A_175 = tpu.memref_slice %arg6[%arg0, %add3A_143, %dma_wait3A_174] : memref<2x50048x8xf32, #tpu.memory_space<hbm>> -> memref<1x391x8xf32, #tpu.memory_space<hbm>>
      %dma_wait3A_176 = tpu.memref_squeeze %dma_wait3A_175 : memref<1x391x8xf32, #tpu.memory_space<hbm>> -> memref<391x8xf32, #tpu.memory_space<hbm>>
      %dma_wait3A_177 = arith.constant 0 : i32
      %dma_wait3A_178 = arith.constant 0 : i32
      %dma_wait3A_179 = tpu.memref_slice %arg16[%dma_wait3A_177, %dma_wait3A_178] : memref<391x16xf32, #tpu.memory_space<vmem>> -> memref<391x8xf32, #tpu.memory_space<vmem>>
      tpu.wait_dma2 semaphore(%run_scoped3A : memref<!tpu.dma_semaphore, #tpu.memory_space<semaphore_mem>>) src(%dma_wait3A_179 : memref<391x8xf32, #tpu.memory_space<vmem>>) dst(%dma_wait3A_176 : memref<391x8xf32, #tpu.memory_space<hbm>>)
      tpu.yield
    }) : () -> ()
    %mul3A_144 = arith.constant 3128 : i32
    %mul3A_145 = arith.muli %arg1, %mul3A_144 : i32
    %add3A_146 = arith.constant 1955 : i32
    %add3A_147 = arith.addi %mul3A_145, %add3A_146 : i32
    "tpu.region"() ({
      %run_scoped3A = tpu.sem_alloc : memref<!tpu.dma_semaphore, #tpu.memory_space<semaphore_mem>>
      %dma_start3A_156 = arith.constant 0 : i32
      %dma_start3A_157 = tpu.memref_slice %arg15[%add3A_147, %dma_start3A_156] : memref<50048x16xf32, #tpu.memory_space<vmem_shared>> -> memref<391x16xf32, #tpu.memory_space<vmem_shared>>
      %dma_start3A_158 = arith.constant 0 : i32
      %dma_start3A_159 = tpu.memref_slice %arg15[%add3A_147, %dma_start3A_158] : memref<50048x16xf32, #tpu.memory_space<vmem_shared>> -> memref<391x16xf32, #tpu.memory_space<vmem_shared>>
      tpu.enqueue_dma source(%dma_start3A_159 : memref<391x16xf32, #tpu.memory_space<vmem_shared>>) target(%arg16 : memref<391x16xf32, #tpu.memory_space<vmem>>) target_semaphore(%run_scoped3A : memref<!tpu.dma_semaphore, #tpu.memory_space<semaphore_mem>>)
      %dma_wait3A_160 = arith.constant 0 : i32
      %dma_wait3A_161 = tpu.memref_slice %arg15[%add3A_147, %dma_wait3A_160] : memref<50048x16xf32, #tpu.memory_space<vmem_shared>> -> memref<391x16xf32, #tpu.memory_space<vmem_shared>>
      %dma_wait3A_162 = arith.constant 0 : i32
      %dma_wait3A_163 = tpu.memref_slice %arg15[%add3A_147, %dma_wait3A_162] : memref<50048x16xf32, #tpu.memory_space<vmem_shared>> -> memref<391x16xf32, #tpu.memory_space<vmem_shared>>
      tpu.wait_dma2 semaphore(%run_scoped3A : memref<!tpu.dma_semaphore, #tpu.memory_space<semaphore_mem>>) src(%dma_wait3A_163 : memref<391x16xf32, #tpu.memory_space<vmem_shared>>) dst(%arg16 : memref<391x16xf32, #tpu.memory_space<vmem>>)
      tpu.yield
    }) : () -> ()
    "tpu.region"() ({
      %run_scoped3A = tpu.sem_alloc : memref<!tpu.dma_semaphore, #tpu.memory_space<semaphore_mem>>
      %dma_start3A_156 = arith.constant 0 : i32
      %dma_start3A_157 = arith.constant 0 : i32
      %dma_start3A_158 = tpu.memref_slice %arg16[%dma_start3A_156, %dma_start3A_157] : memref<391x16xf32, #tpu.memory_space<vmem>> -> memref<391x8xf32, #tpu.memory_space<vmem>>
      %dma_start3A_159 = arith.constant 0 : i32
      %dma_start3A_160 = tpu.memref_slice %arg6[%arg0, %add3A_147, %dma_start3A_159] : memref<2x50048x8xf32, #tpu.memory_space<hbm>> -> memref<1x391x8xf32, #tpu.memory_space<hbm>>
      %dma_start3A_161 = tpu.memref_squeeze %dma_start3A_160 : memref<1x391x8xf32, #tpu.memory_space<hbm>> -> memref<391x8xf32, #tpu.memory_space<hbm>>
      %dma_start3A_162 = arith.constant 0 : i32
      %dma_start3A_163 = tpu.memref_slice %arg6[%arg0, %add3A_147, %dma_start3A_162] : memref<2x50048x8xf32, #tpu.memory_space<hbm>> -> memref<1x391x8xf32, #tpu.memory_space<hbm>>
      %dma_start3A_164 = tpu.memref_squeeze %dma_start3A_163 : memref<1x391x8xf32, #tpu.memory_space<hbm>> -> memref<391x8xf32, #tpu.memory_space<hbm>>
      %dma_start3A_165 = arith.constant 0 : i32
      %dma_start3A_166 = arith.constant 0 : i32
      %dma_start3A_167 = tpu.memref_slice %arg16[%dma_start3A_165, %dma_start3A_166] : memref<391x16xf32, #tpu.memory_space<vmem>> -> memref<391x8xf32, #tpu.memory_space<vmem>>
      tpu.enqueue_dma source(%dma_start3A_167 : memref<391x8xf32, #tpu.memory_space<vmem>>) target(%dma_start3A_164 : memref<391x8xf32, #tpu.memory_space<hbm>>) target_semaphore(%run_scoped3A : memref<!tpu.dma_semaphore, #tpu.memory_space<semaphore_mem>>)
      %dma_wait3A_168 = arith.constant 0 : i32
      %dma_wait3A_169 = arith.constant 0 : i32
      %dma_wait3A_170 = tpu.memref_slice %arg16[%dma_wait3A_168, %dma_wait3A_169] : memref<391x16xf32, #tpu.memory_space<vmem>> -> memref<391x8xf32, #tpu.memory_space<vmem>>
      %dma_wait3A_171 = arith.constant 0 : i32
      %dma_wait3A_172 = tpu.memref_slice %arg6[%arg0, %add3A_147, %dma_wait3A_171] : memref<2x50048x8xf32, #tpu.memory_space<hbm>> -> memref<1x391x8xf32, #tpu.memory_space<hbm>>
      %dma_wait3A_173 = tpu.memref_squeeze %dma_wait3A_172 : memref<1x391x8xf32, #tpu.memory_space<hbm>> -> memref<391x8xf32, #tpu.memory_space<hbm>>
      %dma_wait3A_174 = arith.constant 0 : i32
      %dma_wait3A_175 = tpu.memref_slice %arg6[%arg0, %add3A_147, %dma_wait3A_174] : memref<2x50048x8xf32, #tpu.memory_space<hbm>> -> memref<1x391x8xf32, #tpu.memory_space<hbm>>
      %dma_wait3A_176 = tpu.memref_squeeze %dma_wait3A_175 : memref<1x391x8xf32, #tpu.memory_space<hbm>> -> memref<391x8xf32, #tpu.memory_space<hbm>>
      %dma_wait3A_177 = arith.constant 0 : i32
      %dma_wait3A_178 = arith.constant 0 : i32
      %dma_wait3A_179 = tpu.memref_slice %arg16[%dma_wait3A_177, %dma_wait3A_178] : memref<391x16xf32, #tpu.memory_space<vmem>> -> memref<391x8xf32, #tpu.memory_space<vmem>>
      tpu.wait_dma2 semaphore(%run_scoped3A : memref<!tpu.dma_semaphore, #tpu.memory_space<semaphore_mem>>) src(%dma_wait3A_179 : memref<391x8xf32, #tpu.memory_space<vmem>>) dst(%dma_wait3A_176 : memref<391x8xf32, #tpu.memory_space<hbm>>)
      tpu.yield
    }) : () -> ()
    %mul3A_148 = arith.constant 3128 : i32
    %mul3A_149 = arith.muli %arg1, %mul3A_148 : i32
    %add3A_150 = arith.constant 2346 : i32
    %add3A_151 = arith.addi %mul3A_149, %add3A_150 : i32
    "tpu.region"() ({
      %run_scoped3A = tpu.sem_alloc : memref<!tpu.dma_semaphore, #tpu.memory_space<semaphore_mem>>
      %dma_start3A_156 = arith.constant 0 : i32
      %dma_start3A_157 = tpu.memref_slice %arg15[%add3A_151, %dma_start3A_156] : memref<50048x16xf32, #tpu.memory_space<vmem_shared>> -> memref<391x16xf32, #tpu.memory_space<vmem_shared>>
      %dma_start3A_158 = arith.constant 0 : i32
      %dma_start3A_159 = tpu.memref_slice %arg15[%add3A_151, %dma_start3A_158] : memref<50048x16xf32, #tpu.memory_space<vmem_shared>> -> memref<391x16xf32, #tpu.memory_space<vmem_shared>>
      tpu.enqueue_dma source(%dma_start3A_159 : memref<391x16xf32, #tpu.memory_space<vmem_shared>>) target(%arg16 : memref<391x16xf32, #tpu.memory_space<vmem>>) target_semaphore(%run_scoped3A : memref<!tpu.dma_semaphore, #tpu.memory_space<semaphore_mem>>)
      %dma_wait3A_160 = arith.constant 0 : i32
      %dma_wait3A_161 = tpu.memref_slice %arg15[%add3A_151, %dma_wait3A_160] : memref<50048x16xf32, #tpu.memory_space<vmem_shared>> -> memref<391x16xf32, #tpu.memory_space<vmem_shared>>
      %dma_wait3A_162 = arith.constant 0 : i32
      %dma_wait3A_163 = tpu.memref_slice %arg15[%add3A_151, %dma_wait3A_162] : memref<50048x16xf32, #tpu.memory_space<vmem_shared>> -> memref<391x16xf32, #tpu.memory_space<vmem_shared>>
      tpu.wait_dma2 semaphore(%run_scoped3A : memref<!tpu.dma_semaphore, #tpu.memory_space<semaphore_mem>>) src(%dma_wait3A_163 : memref<391x16xf32, #tpu.memory_space<vmem_shared>>) dst(%arg16 : memref<391x16xf32, #tpu.memory_space<vmem>>)
      tpu.yield
    }) : () -> ()
    "tpu.region"() ({
      %run_scoped3A = tpu.sem_alloc : memref<!tpu.dma_semaphore, #tpu.memory_space<semaphore_mem>>
      %dma_start3A_156 = arith.constant 0 : i32
      %dma_start3A_157 = arith.constant 0 : i32
      %dma_start3A_158 = tpu.memref_slice %arg16[%dma_start3A_156, %dma_start3A_157] : memref<391x16xf32, #tpu.memory_space<vmem>> -> memref<391x8xf32, #tpu.memory_space<vmem>>
      %dma_start3A_159 = arith.constant 0 : i32
      %dma_start3A_160 = tpu.memref_slice %arg6[%arg0, %add3A_151, %dma_start3A_159] : memref<2x50048x8xf32, #tpu.memory_space<hbm>> -> memref<1x391x8xf32, #tpu.memory_space<hbm>>
      %dma_start3A_161 = tpu.memref_squeeze %dma_start3A_160 : memref<1x391x8xf32, #tpu.memory_space<hbm>> -> memref<391x8xf32, #tpu.memory_space<hbm>>
      %dma_start3A_162 = arith.constant 0 : i32
      %dma_start3A_163 = tpu.memref_slice %arg6[%arg0, %add3A_151, %dma_start3A_162] : memref<2x50048x8xf32, #tpu.memory_space<hbm>> -> memref<1x391x8xf32, #tpu.memory_space<hbm>>
      %dma_start3A_164 = tpu.memref_squeeze %dma_start3A_163 : memref<1x391x8xf32, #tpu.memory_space<hbm>> -> memref<391x8xf32, #tpu.memory_space<hbm>>
      %dma_start3A_165 = arith.constant 0 : i32
      %dma_start3A_166 = arith.constant 0 : i32
      %dma_start3A_167 = tpu.memref_slice %arg16[%dma_start3A_165, %dma_start3A_166] : memref<391x16xf32, #tpu.memory_space<vmem>> -> memref<391x8xf32, #tpu.memory_space<vmem>>
      tpu.enqueue_dma source(%dma_start3A_167 : memref<391x8xf32, #tpu.memory_space<vmem>>) target(%dma_start3A_164 : memref<391x8xf32, #tpu.memory_space<hbm>>) target_semaphore(%run_scoped3A : memref<!tpu.dma_semaphore, #tpu.memory_space<semaphore_mem>>)
      %dma_wait3A_168 = arith.constant 0 : i32
      %dma_wait3A_169 = arith.constant 0 : i32
      %dma_wait3A_170 = tpu.memref_slice %arg16[%dma_wait3A_168, %dma_wait3A_169] : memref<391x16xf32, #tpu.memory_space<vmem>> -> memref<391x8xf32, #tpu.memory_space<vmem>>
      %dma_wait3A_171 = arith.constant 0 : i32
      %dma_wait3A_172 = tpu.memref_slice %arg6[%arg0, %add3A_151, %dma_wait3A_171] : memref<2x50048x8xf32, #tpu.memory_space<hbm>> -> memref<1x391x8xf32, #tpu.memory_space<hbm>>
      %dma_wait3A_173 = tpu.memref_squeeze %dma_wait3A_172 : memref<1x391x8xf32, #tpu.memory_space<hbm>> -> memref<391x8xf32, #tpu.memory_space<hbm>>
      %dma_wait3A_174 = arith.constant 0 : i32
      %dma_wait3A_175 = tpu.memref_slice %arg6[%arg0, %add3A_151, %dma_wait3A_174] : memref<2x50048x8xf32, #tpu.memory_space<hbm>> -> memref<1x391x8xf32, #tpu.memory_space<hbm>>
      %dma_wait3A_176 = tpu.memref_squeeze %dma_wait3A_175 : memref<1x391x8xf32, #tpu.memory_space<hbm>> -> memref<391x8xf32, #tpu.memory_space<hbm>>
      %dma_wait3A_177 = arith.constant 0 : i32
      %dma_wait3A_178 = arith.constant 0 : i32
      %dma_wait3A_179 = tpu.memref_slice %arg16[%dma_wait3A_177, %dma_wait3A_178] : memref<391x16xf32, #tpu.memory_space<vmem>> -> memref<391x8xf32, #tpu.memory_space<vmem>>
      tpu.wait_dma2 semaphore(%run_scoped3A : memref<!tpu.dma_semaphore, #tpu.memory_space<semaphore_mem>>) src(%dma_wait3A_179 : memref<391x8xf32, #tpu.memory_space<vmem>>) dst(%dma_wait3A_176 : memref<391x8xf32, #tpu.memory_space<hbm>>)
      tpu.yield
    }) : () -> ()
    %mul3A_152 = arith.constant 3128 : i32
    %mul3A_153 = arith.muli %arg1, %mul3A_152 : i32
    %add3A_154 = arith.constant 2737 : i32
    %add3A_155 = arith.addi %mul3A_153, %add3A_154 : i32
    "tpu.region"() ({
      %run_scoped3A = tpu.sem_alloc : memref<!tpu.dma_semaphore, #tpu.memory_space<semaphore_mem>>
      %dma_start3A_156 = arith.constant 0 : i32
      %dma_start3A_157 = tpu.memref_slice %arg15[%add3A_155, %dma_start3A_156] : memref<50048x16xf32, #tpu.memory_space<vmem_shared>> -> memref<391x16xf32, #tpu.memory_space<vmem_shared>>
      %dma_start3A_158 = arith.constant 0 : i32
      %dma_start3A_159 = tpu.memref_slice %arg15[%add3A_155, %dma_start3A_158] : memref<50048x16xf32, #tpu.memory_space<vmem_shared>> -> memref<391x16xf32, #tpu.memory_space<vmem_shared>>
      tpu.enqueue_dma source(%dma_start3A_159 : memref<391x16xf32, #tpu.memory_space<vmem_shared>>) target(%arg16 : memref<391x16xf32, #tpu.memory_space<vmem>>) target_semaphore(%run_scoped3A : memref<!tpu.dma_semaphore, #tpu.memory_space<semaphore_mem>>)
      %dma_wait3A_160 = arith.constant 0 : i32
      %dma_wait3A_161 = tpu.memref_slice %arg15[%add3A_155, %dma_wait3A_160] : memref<50048x16xf32, #tpu.memory_space<vmem_shared>> -> memref<391x16xf32, #tpu.memory_space<vmem_shared>>
      %dma_wait3A_162 = arith.constant 0 : i32
      %dma_wait3A_163 = tpu.memref_slice %arg15[%add3A_155, %dma_wait3A_162] : memref<50048x16xf32, #tpu.memory_space<vmem_shared>> -> memref<391x16xf32, #tpu.memory_space<vmem_shared>>
      tpu.wait_dma2 semaphore(%run_scoped3A : memref<!tpu.dma_semaphore, #tpu.memory_space<semaphore_mem>>) src(%dma_wait3A_163 : memref<391x16xf32, #tpu.memory_space<vmem_shared>>) dst(%arg16 : memref<391x16xf32, #tpu.memory_space<vmem>>)
      tpu.yield
    }) : () -> ()
    "tpu.region"() ({
      %run_scoped3A = tpu.sem_alloc : memref<!tpu.dma_semaphore, #tpu.memory_space<semaphore_mem>>
      %dma_start3A_156 = arith.constant 0 : i32
      %dma_start3A_157 = arith.constant 0 : i32
      %dma_start3A_158 = tpu.memref_slice %arg16[%dma_start3A_156, %dma_start3A_157] : memref<391x16xf32, #tpu.memory_space<vmem>> -> memref<391x8xf32, #tpu.memory_space<vmem>>
      %dma_start3A_159 = arith.constant 0 : i32
      %dma_start3A_160 = tpu.memref_slice %arg6[%arg0, %add3A_155, %dma_start3A_159] : memref<2x50048x8xf32, #tpu.memory_space<hbm>> -> memref<1x391x8xf32, #tpu.memory_space<hbm>>
      %dma_start3A_161 = tpu.memref_squeeze %dma_start3A_160 : memref<1x391x8xf32, #tpu.memory_space<hbm>> -> memref<391x8xf32, #tpu.memory_space<hbm>>
      %dma_start3A_162 = arith.constant 0 : i32
      %dma_start3A_163 = tpu.memref_slice %arg6[%arg0, %add3A_155, %dma_start3A_162] : memref<2x50048x8xf32, #tpu.memory_space<hbm>> -> memref<1x391x8xf32, #tpu.memory_space<hbm>>
      %dma_start3A_164 = tpu.memref_squeeze %dma_start3A_163 : memref<1x391x8xf32, #tpu.memory_space<hbm>> -> memref<391x8xf32, #tpu.memory_space<hbm>>
      %dma_start3A_165 = arith.constant 0 : i32
      %dma_start3A_166 = arith.constant 0 : i32
      %dma_start3A_167 = tpu.memref_slice %arg16[%dma_start3A_165, %dma_start3A_166] : memref<391x16xf32, #tpu.memory_space<vmem>> -> memref<391x8xf32, #tpu.memory_space<vmem>>
      tpu.enqueue_dma source(%dma_start3A_167 : memref<391x8xf32, #tpu.memory_space<vmem>>) target(%dma_start3A_164 : memref<391x8xf32, #tpu.memory_space<hbm>>) target_semaphore(%run_scoped3A : memref<!tpu.dma_semaphore, #tpu.memory_space<semaphore_mem>>)
      %dma_wait3A_168 = arith.constant 0 : i32
      %dma_wait3A_169 = arith.constant 0 : i32
      %dma_wait3A_170 = tpu.memref_slice %arg16[%dma_wait3A_168, %dma_wait3A_169] : memref<391x16xf32, #tpu.memory_space<vmem>> -> memref<391x8xf32, #tpu.memory_space<vmem>>
      %dma_wait3A_171 = arith.constant 0 : i32
      %dma_wait3A_172 = tpu.memref_slice %arg6[%arg0, %add3A_155, %dma_wait3A_171] : memref<2x50048x8xf32, #tpu.memory_space<hbm>> -> memref<1x391x8xf32, #tpu.memory_space<hbm>>
      %dma_wait3A_173 = tpu.memref_squeeze %dma_wait3A_172 : memref<1x391x8xf32, #tpu.memory_space<hbm>> -> memref<391x8xf32, #tpu.memory_space<hbm>>
      %dma_wait3A_174 = arith.constant 0 : i32
      %dma_wait3A_175 = tpu.memref_slice %arg6[%arg0, %add3A_155, %dma_wait3A_174] : memref<2x50048x8xf32, #tpu.memory_space<hbm>> -> memref<1x391x8xf32, #tpu.memory_space<hbm>>
      %dma_wait3A_176 = tpu.memref_squeeze %dma_wait3A_175 : memref<1x391x8xf32, #tpu.memory_space<hbm>> -> memref<391x8xf32, #tpu.memory_space<hbm>>
      %dma_wait3A_177 = arith.constant 0 : i32
      %dma_wait3A_178 = arith.constant 0 : i32
      %dma_wait3A_179 = tpu.memref_slice %arg16[%dma_wait3A_177, %dma_wait3A_178] : memref<391x16xf32, #tpu.memory_space<vmem>> -> memref<391x8xf32, #tpu.memory_space<vmem>>
      tpu.wait_dma2 semaphore(%run_scoped3A : memref<!tpu.dma_semaphore, #tpu.memory_space<semaphore_mem>>) src(%dma_wait3A_179 : memref<391x8xf32, #tpu.memory_space<vmem>>) dst(%dma_wait3A_176 : memref<391x8xf32, #tpu.memory_space<hbm>>)
      tpu.yield
    }) : () -> ()
    return
  }
}

module attributes {stable_mosaic.version = 14 : i64} {
  func.func @_d_body(%arg0: i32, %arg1: memref<2000x256xf32, #tpu.memory_space<vmem>>, %arg2: memref<1x256xf32, #tpu.memory_space<vmem>>, %arg3: memref<2000x1xf32, #tpu.memory_space<vmem>>) attributes {dimension_semantics = [#tpu.dimension_semantics<arbitrary>], iteration_bounds = array<i64: 25>, scalar_prefetch = 0 : i64, scratch_operands = 0 : i64, tpu.core_type = #tpu.core_type<tc>, window_params = [{transform_indices = @transform_0, window_bounds = array<i64: 2000, 256>}, {pipeline_mode = #tpu.pipeline_mode<synchronous>, transform_indices = @transform_1, window_bounds = array<i64: 1, 256>}, {transform_indices = @transform_2, window_bounds = array<i64: 2000, 1>}]} {
    %get3A = arith.constant 0 : index
    %get3A_0 = arith.constant 0 : index
    %get3A_1 = vector.load %arg1[%get3A, %get3A_0] : memref<2000x256xf32, #tpu.memory_space<vmem>>, vector<2000x256xf32>
    %logistic3A = arith.negf %get3A_1 : vector<2000x256xf32>
    %logistic3A_2 = math.exp %logistic3A : vector<2000x256xf32>
    %logistic3A_3 = arith.constant 1.000000e+00 : f32
    %logistic3A_4 = vector.broadcast %logistic3A_3 : f32 to vector<2000x256xf32>
    %logistic3A_5 = arith.addf %logistic3A_4, %logistic3A_2 : vector<2000x256xf32>
    %logistic3A_6 = arith.divf %logistic3A_4, %logistic3A_5 : vector<2000x256xf32>
    %mul3A = arith.mulf %get3A_1, %logistic3A_6 : vector<2000x256xf32>
    %get3A_7 = arith.constant 0 : index
    %get3A_8 = arith.constant 0 : index
    %get3A_9 = vector.load %arg2[%get3A_7, %get3A_8] : memref<1x256xf32, #tpu.memory_space<vmem>>, vector<1x256xf32>
    %mul3A_10 = vector.broadcast %get3A_9 : vector<1x256xf32> to vector<2000x256xf32>
    %mul3A_11 = arith.mulf %mul3A, %mul3A_10 : vector<2000x256xf32>
    %reduce_sum3A = arith.constant dense<0.000000e+00> : vector<2000xf32>
    %reduce_sum3A_12 = vector.multi_reduction <add>, %mul3A_11, %reduce_sum3A [1] : vector<2000x256xf32> to vector<2000xf32>
    %broadcast_in_dim3A = vector.shape_cast %reduce_sum3A_12 : vector<2000xf32> to vector<2000x1xf32>
    %swap3A = arith.constant 0 : index
    %swap3A_13 = arith.constant 0 : index
    %swap3A_14 = vector.load %arg3[%swap3A, %swap3A_13] : memref<2000x1xf32, #tpu.memory_space<vmem>>, vector<2000x1xf32>
    tpu.vector_store %arg3[%swap3A, %swap3A_13], %broadcast_in_dim3A {strides = array<i32>} : memref<2000x1xf32, #tpu.memory_space<vmem>>, vector<2000x1xf32>,
    return
  }
  func.func @transform_0(%arg0: i32) -> (i32, i32) {
    %c0_i32 = arith.constant 0 : i32
    %c0_i32_0 = arith.constant 0 : i32
    return %arg0, %c0_i32 : i32, i32
  }
  func.func @transform_1(%arg0: i32) -> (i32, i32) {
    %c0_i32 = arith.constant 0 : i32
    %c0_i32_0 = arith.constant 0 : i32
    %c0_i32_1 = arith.constant 0 : i32
    return %c0_i32, %c0_i32_0 : i32, i32
  }
  func.func @transform_2(%arg0: i32) -> (i32, i32) {
    %c0_i32 = arith.constant 0 : i32
    %c0_i32_0 = arith.constant 0 : i32
    return %arg0, %c0_i32 : i32, i32
  }
}

module attributes {stable_mosaic.version = 14 : i64} {
  func.func @_fin_body(%arg0: i32, %arg1: memref<2000x192xf32, #tpu.memory_space<vmem>>, %arg2: memref<192x8xf32, #tpu.memory_space<vmem>>, %arg3: memref<2000x8xf32, #tpu.memory_space<vmem>>, %arg4: memref<2000x8xf32, #tpu.memory_space<vmem>>, %arg5: memref<2000x8xf32, #tpu.memory_space<vmem>>) attributes {dimension_semantics = [#tpu.dimension_semantics<arbitrary>], iteration_bounds = array<i64: 25>, scalar_prefetch = 0 : i64, scratch_operands = 0 : i64, tpu.core_type = #tpu.core_type<tc>, window_params = [{transform_indices = @transform_0, window_bounds = array<i64: 2000, 192>}, {pipeline_mode = #tpu.pipeline_mode<synchronous>, transform_indices = @transform_1, window_bounds = array<i64: 192, 8>}, {transform_indices = @transform_2, window_bounds = array<i64: 2000, 8>}, {transform_indices = @transform_3, window_bounds = array<i64: 2000, 8>}, {transform_indices = @transform_4, window_bounds = array<i64: 2000, 8>}]} {
    %get3A = arith.constant 0 : index
    %get3A_0 = arith.constant 0 : index
    %get3A_1 = vector.load %arg1[%get3A, %get3A_0] : memref<2000x192xf32, #tpu.memory_space<vmem>>, vector<2000x192xf32>
    %get3A_2 = arith.constant 0 : index
    %get3A_3 = arith.constant 0 : index
    %get3A_4 = vector.load %arg2[%get3A_2, %get3A_3] : memref<192x8xf32, #tpu.memory_space<vmem>>, vector<192x8xf32>
    %dot_general3A = arith.constant dense<0.000000e+00> : vector<2000x8xf32>
    %dot_general3A_5 = tpu.matmul %get3A_1, %get3A_4, %dot_general3A {dimension_numbers = #tpu.dot_dimension_numbers<[1], [0], [0], [1], [0, 0, 1, 1], [], []>, transpose_lhs_hint = false} : vector<2000x192xf32>, vector<192x8xf32>, vector<2000x8xf32> -> vector<2000x8xf32>
    %get3A_6 = arith.constant 0 : index
    %get3A_7 = arith.constant 0 : index
    %get3A_8 = vector.load %arg3[%get3A_6, %get3A_7] : memref<2000x8xf32, #tpu.memory_space<vmem>>, vector<2000x8xf32>
    %add3A = arith.addf %dot_general3A_5, %get3A_8 : vector<2000x8xf32>
    %get3A_9 = arith.constant 0 : index
    %get3A_10 = arith.constant 0 : index
    %get3A_11 = vector.load %arg4[%get3A_9, %get3A_10] : memref<2000x8xf32, #tpu.memory_space<vmem>>, vector<2000x8xf32>
    %add3A_12 = arith.addf %add3A, %get3A_11 : vector<2000x8xf32>
    %swap3A = arith.constant 0 : index
    %swap3A_13 = arith.constant 0 : index
    %swap3A_14 = vector.load %arg5[%swap3A, %swap3A_13] : memref<2000x8xf32, #tpu.memory_space<vmem>>, vector<2000x8xf32>
    tpu.vector_store %arg5[%swap3A, %swap3A_13], %add3A_12 {strides = array<i32>} : memref<2000x8xf32, #tpu.memory_space<vmem>>, vector<2000x8xf32>,
    return
  }
  func.func @transform_0(%arg0: i32) -> (i32, i32) {
    %c0_i32 = arith.constant 0 : i32
    %c0_i32_0 = arith.constant 0 : i32
    return %arg0, %c0_i32 : i32, i32
  }
  func.func @transform_1(%arg0: i32) -> (i32, i32) {
    %c0_i32 = arith.constant 0 : i32
    %c0_i32_0 = arith.constant 0 : i32
    %c0_i32_1 = arith.constant 0 : i32
    return %c0_i32, %c0_i32_0 : i32, i32
  }
  func.func @transform_2(%arg0: i32) -> (i32, i32) {
    %c0_i32 = arith.constant 0 : i32
    %c0_i32_0 = arith.constant 0 : i32
    return %arg0, %c0_i32 : i32, i32
  }
  func.func @transform_3(%arg0: i32) -> (i32, i32) {
    %c0_i32 = arith.constant 0 : i32
    %c0_i32_0 = arith.constant 0 : i32
    return %arg0, %c0_i32 : i32, i32
  }
  func.func @transform_4(%arg0: i32) -> (i32, i32) {
    %c0_i32 = arith.constant 0 : i32
    %c0_i32_0 = arith.constant 0 : i32
    return %arg0, %c0_i32 : i32, i32
  }
}

</mosaic_0001>

<sc_bundles>
// kernel: kernel.5.cloned.1.call-start
scs
__scs_entry_jumppad:
0x0: {  	(pc) =	sbr.rel $0x88, $3  }
0x1: {  	(tag) =	ssettag $0x0;
	lr =	simm.s32 $0x1  }
0x2: {  	[smem:$0x3F9B] =	sst lr;
	_ =	strace $0xD0000000  }
0x3: {  	_ = 	snop  }
0x4: {  	_ = 	snop  }
0x5: {  	_ = 	snop  }
0x6: {  	_ = 	snop  }
0x7: {  	_ = 	snop  }
__scs_overlays_trampoline_lowered:
0x8: {  	[smem:$0x3FAA] =	sst s0  }
0x9: {  	[smem:$0x3FAB] =	sst s1  }
0xa: {  	[smem:$0x3FAC] =	sst s2  }
0xb: {  	[smem:$0x3FAD] =	sst s3  }
0xc: {  	[smem:$0x3FAE] =	sst s4  }
0xd: {  	[smem:$0x3FAF] =	sst s5  }
0xe: {  	[smem:$0x3FB0] =	sst s6  }
0xf: {  	[smem:$0x3FB1] =	sst s7  }
0x10: {  	[smem:$0x3FB2] =	sst s8  }
0x11: {  	[smem:$0x3FB3] =	sst s9;
	s0 =	simm.s32 @!p0 $0x0  }
0x12: {  	s1 =	sld [smem:$0x3F99];
	s0 =	simm.s32 @p0 $0x1  }
0x13: {  	[smem:$0x3FB4] =	sst s0;
	s0 =	simm.s32 @!p1 $0x0  }
0x14: {  	s2 =	sld [smem:$0x3F98];
	s0 =	simm.s32 @p1 $0x1  }
0x15: {  	[smem:$0x3FB5] =	sst s0;
	s0 =	simm.s32 @!p2 $0x0  }
0x16: {  	s3 =	sld [smem:$0x3FDB];
	s0 =	simm.s32 @p2 $0x1  }
0x17: {  	s4 =	simm.s32 $0x1BF5;
	[smem:$0x3FB7] =	sst s0  }
0x18: {  	s0 =	sld [smem:$0x3F9A];
	_ =	swait.ge [sflag:s4], $0x0  }
0x19: {  	s7 =	sld [smem:$0x3F9B]  }
0x1a: {  	s8 =	sadd.s32 $0xFFFFE003, lr  }
0x1b: {  	s9 =	sadd.s32 $0xFFFFFEF7, lr;
	s5 =	simm.s32 $0xFFFFFFFF;
	p2 =	slt.u32 s8, $0xFFFFF086  }
0x1c: {  	p1 =	slt.u32 s9, $0xF7A;
	s5 =	simm.s32 @!p2 $0x0  }
0x1d: {  	s5 =	simm.s32 @p1 $0x1;
	p0 =	seq.s32 s7, s2  }
0x1e: {  	s7 =	smul.u32 @!p0 $0xF7A, s2;
	p2 =	seq.s32 @!p0 s5, $0x0  }
0x1f: {  	s9 =	smul.u32 $0xF7A, s1;
	s8 =	simm.s32 @!p0 $0x1BF5;
	p2 =	por !p2, p0  }
0x20: {  	[sflag:s8] =	ssyncset.s32 @!p0 $0xFFFFF086;
	s6 =	sadd.s32 @!p0 s3, s7;
	s7 =	simm.s32 @!p0 $0x108  }
0x21: {  	s3 =	sadd.s32 s3, s9;
	s6 =	sadd.s32 @!p0 $0x88, s6;
	s7 =	simm.s32 @p2 $0x1082  }
0x22: {  	[simem:s7], [sflag:s8] =	dma.local @!p0 [hbm:s6], $0xF7A  }
0x23: {  	s9 =	sor.u32 $0xD0000000, s2;
	s6 =	simm.s32 $0x108;
	_ =	swait.ge @!p0 [sflag:s8], $0x0  }
0x24: {  	s3 =	sadd.s32 $0x88, s3;
	s6 =	simm.s32 @!p1 $0x1082;
	[sflag:s4] =	ssyncset.s32 $0xFFFFF086  }
0x25: {  	[simem:s6], [sflag:s4] =	dma.local [hbm:s3], $0xF7A  }
0x26: {  	[smem:$0x3F9B] =	sst s1;
	(tag) =	ssettag s2;
	_ =	strace s9  }
0x27: {  	s1 =	sld [smem:$0x3FAB]  }
0x28: {  	s2 =	sld [smem:$0x3FAC]  }
0x29: {  	s4 =	sld [smem:$0x3FAE]  }
0x2a: {  	p0 =	seq.s32 s5, $0x0;
	s5 =	sld [smem:$0x3FAF]  }
0x2b: {  	s6 =	sld [smem:$0x3FB0]  }
0x2c: {  	s7 =	sld [smem:$0x3FB1]  }
0x2d: {  	s3 =	simm.s32 $0x108;
	s8 =	sld [smem:$0x3FB2]  }
0x2e: {  	s3 =	simm.s32 @!p0 $0x1082;
	s9 =	sld [smem:$0x3FB3]  }
0x2f: {  	lr =	sadd.s32 s0, s3;
	s0 =	sld [smem:$0x3FAA]  }
0x30: {  	s3 =	sld [smem:$0x3FAD]  }
0x31: {  	[smem:$0x3FB6] =	sst s10  }
0x32: {  	s10 =	sld [smem:$0x3FB4];
	_ =	sdelay $0x3  }
0x33: {  	p0 =	seq.s32 s10, $0x1;
	s10 =	sld [smem:$0x3FB6];
	_ =	sdelay $0x3  }
0x34: {  	[smem:$0x3FB6] =	sst s10  }
0x35: {  	s10 =	sld [smem:$0x3FB5];
	_ =	sdelay $0x3  }
0x36: {  	p1 =	seq.s32 s10, $0x1;
	s10 =	sld [smem:$0x3FB6];
	_ =	sdelay $0x3  }
0x37: {  	[smem:$0x3FB6] =	sst s10  }
0x38: {  	s10 =	sld [smem:$0x3FB7]  }
0x39: {  	_ = 	snop;
	(pc) =	sbr.ind lr, $3  }
0x3a: {  	_ = 	snop  }
0x3b: {  	_ = 	snop  }
0x3c: {  	p2 =	seq.s32 s10, $0x1;
	s10 =	sld [smem:$0x3FB6]  }
0x3d: {  	_ =	shalt  }
0x3e: {  	_ =	shalt  }
0x3f: {  	_ =	shalt  }
0x40: {  	_ =	shalt  }
0x41: {  	_ =	shalt  }
0x42: {  	_ =	shalt  }
0x43: {  	_ =	shalt  }
0x44: {  	_ =	shalt  }
0x45: {  	_ =	shalt  }
0x46: {  	_ =	shalt  }
0x47: {  	_ =	shalt  }
0x48: {  	_ =	shalt  }
0x49: {  	_ =	shalt  }
0x4a: {  	_ =	shalt  }
0x4b: {  	_ =	shalt  }
0x4c: {  	_ =	shalt  }
0x4d: {  	_ =	shalt  }
0x4e: {  	_ =	shalt  }
0x4f: {  	_ =	shalt  }
0x50: {  	_ =	shalt  }
0x51: {  	_ =	shalt  }
0x52: {  	_ =	shalt  }
0x53: {  	_ =	shalt  }
0x54: {  	_ =	shalt  }
0x55: {  	_ =	shalt  }
0x56: {  	_ =	shalt  }
0x57: {  	_ =	shalt  }
0x58: {  	_ =	shalt  }
0x59: {  	_ =	shalt  }
0x5a: {  	_ =	shalt  }
0x5b: {  	_ =	shalt  }
0x5c: {  	_ =	shalt  }
0x5d: {  	_ =	shalt  }
0x5e: {  	_ =	shalt  }
0x5f: {  	_ =	shalt  }
0x60: {  	_ =	shalt  }
0x61: {  	_ =	shalt  }
0x62: {  	_ =	shalt  }
0x63: {  	_ =	shalt  }
0x64: {  	_ =	shalt  }
0x65: {  	_ =	shalt  }
0x66: {  	_ =	shalt  }
0x67: {  	_ =	shalt  }
0x68: {  	_ =	shalt  }
0x69: {  	_ =	shalt  }
0x6a: {  	_ =	shalt  }
0x6b: {  	_ =	shalt  }
0x6c: {  	_ =	shalt  }
0x6d: {  	_ =	shalt  }
0x6e: {  	_ =	shalt  }
0x6f: {  	_ =	shalt  }
0x70: {  	_ =	shalt  }
0x71: {  	_ =	shalt  }
0x72: {  	_ =	shalt  }
0x73: {  	_ =	shalt  }
0x74: {  	_ =	shalt  }
0x75: {  	_ =	shalt  }
0x76: {  	_ =	shalt  }
0x77: {  	_ =	shalt  }
0x78: {  	_ =	shalt  }
0x79: {  	_ =	shalt  }
0x7a: {  	_ =	shalt  }
0x7b: {  	_ =	shalt  }
0x7c: {  	_ =	shalt  }
0x7d: {  	_ =	shalt  }
0x7e: {  	_ =	shalt  }
0x7f: {  	_ =	shalt  }
0x80: {  	_ =	shalt  }
0x81: {  	_ =	shalt  }
0x82: {  	_ =	shalt  }
0x83: {  	_ =	shalt  }
0x84: {  	_ =	shalt  }
0x85: {  	_ =	shalt  }
0x86: {  	_ =	shalt  }
0x87: {  	_ =	shalt  }
.Lfunc_end0:
.L_simem_size_0:
called_computation_lowered:
.L_overlay_start_0:
0x88: {  	s2 =	sld [smem:$0x3FD9]  }
0x89: {  	s3 =	sld [smem:$0x3FFE];
	_ =	sdelay $0x1  }
0x8a: {  	s1 =	srdreg.scid  }
0x8b: {  	s0 =	sand.u32 $0x1, s1  }
0x8c: {  	s17 =	sshll.u32 s0, $0xA;
	s2 =	sadd.s32 s3, s2  }
0x8d: {  	s2 =	sadd.s32 s2, s17  }
0x8e: {  	[smem:$0x3FC2] =	sst s2  }
0x8f: {  	_ = 	snop  }
0x90: {  	s2 =	sld [smem:$0x3FD0];
	(tm) =	ssettm $0x1  }
0x91: {  	s18 =	sld [smem:$0x3FFB];
	_ =	sdelay $0x3  }
0x92: {  	_ =	strace s18  }
0x93: {  	s3 =	sld [smem:$0x3FFC];
	_ =	sdelay $0x3  }
0x94: {  	_ =	strace s3  }
0x95: {  	s3 =	sld [smem:$0x3FFD];
	_ =	sdelay $0x3  }
0x96: {  	_ =	strace s3  }
0x97: {  	_ =	strace $0x8FFFFFFF  }
0x98: {  	s19 =	sld [smem:$0x3FDB];
	_ =	sdelay $0x1  }
0x99: {  	s4 =	simm.s32 $_scs_section_size  }
0x9a: {  	s5 =	simm.s32 $_size__tile_overlayer_lowered;
	s6 =	simm.s32 $_tile_overlayer_lowered  }
0x9b: {  	s22 =	simm.s32 $0x1BFF;
	s21 =	sshll.u32 s6, $0x1;
	s3 =	sadd.s32 s4, s19  }
0x9c: {  	s7 =	simm.s32 $0x0;
	s20 =	sshll.u32 s5, $0x1;
	s5 =	sadd.s32 s21, s3  }
0x9d: {  	[timem:s7], [sflag:s22] =	dma.local [hbm:s5], s20  }
0x9e: {  	_ =	swait.ge [sflag:s22], s20  }
0x9f: {  	s4 =	ssub.s32 $0x0, s20;
	[sflag:s22] =	ssyncset.done $0x0  }
0xa0: {  	[sflag:s22] =	ssyncadd.s32 s4;
	_ =	sdelay $0x1  }
0xa1: {  	s23 =	simm.s32 $0x1B8B  }
0xa2: {  	_ =	swait.ge [sflag:s23], $0x1  }
0xa3: {  	[sflag:s23] =	ssyncset.done $0x0  }
0xa4: {  	s25 =	simm.s32 $0x1B8E;
	s24 =	sld [smem:$0x3FFE];
	[sflag:s23] =	ssyncadd.s32 $0xFFFFFFFF  }
0xa5: {  	s26 =	simm.s32 $execute0_lowered;
	[smem:$0x3FD2] =	sst s25  }
0xa6: {  	s5 =	sshll.u32 s26, $0x1;
	_ =	strace $0x80000046;
	[dreg:$0x1] =	wrdreg $0xFFFFFFFF  }
0xa7: {  	s28 =	simm.s32 $_size_execute0_lowered;
	s3 =	sadd.s32 s3, s5;
	[dreg:$0x0] =	wrdreg $0x0  }
0xa8: {  	s5 =	sshll.u32 s28, $0x1;
	[dreg:$0x2] =	wrdreg s3  }
0xa9: {  	[dreg:$0x3] =	wrdreg s5  }
0xaa: {  	[dreg:$0x4] =	wrdreg $0xC0  }
0xab: {  	_ =	task [dreg:s7], $0x5FFFF  }
0xac: {  	[dreg:$0x1] =	wrdreg $0xFFFFFFFF  }
0xad: {  	[dreg:$0x0] =	wrdreg $0x60  }
0xae: {  	[dreg:$0x2] =	wrdreg s24  }
0xaf: {  	[dreg:$0x3] =	wrdreg s2  }
0xb0: {  	[dreg:$0x4] =	wrdreg $0xCC000  }
0xb1: {  	[dreg:$0x5] =	wrdreg $0x9  }
0xb2: {  	_ =	task.clear_ibuf [dreg:s7], $0x6FFFF;
	_ =	strace $0x90000046  }
0xb3: {  	s29 =	simm.s32 $0x9;
	_ =	strace $0x80000048  }
0xb4: {  	_ =	swait.ge [sflag:s29], $0x1  }
0xb5: {  	[sflag:s29] =	ssyncadd.s32 $0xFFFFFFFF  }
0xb6: {  	_ =	strace $0x90000048  }
0xb7: {  	_ =	sfence  }
0xb8: {  	s30 =	sld [smem:$0x0];
	_ =	sdelay $0x2  }
0xb9: {  	s31 =	sshll.u32 s1, $0xD;
	s1 =	sshrl.u32 s1, $0x2  }
0xba: {  	s3 =	sand.u32 $0x4000, s31;
	s1 =	sadd.s32 s1, s30  }
0xbb: {  	s0 =	sor.u32 s3, s0;
	s1 =	sshll.u32 s1, $0x11  }
0xbc: {  	s0 =	sor.u32 s1, s0  }
0xbd: {  	s0 =	sadd.s32 $0x8F2B, s0  }
0xbe: {  	[sflag:s0] =	ssyncadd.remote.s32 $0x1  }
0xbf: {  	_ =	sfence.sel $0xFFFF  }
0xc0: {  	[dreg:$0x0] =	wrdreg $0xFFFFFFFF;
	(pc) =	sbr.abs _section_cstart, $3  }
0xc1: {  	[dreg:$0x1] =	wrdreg $0xFFFFFFFF  }
0xc2: {  	_ =	task.clear_ibuf [dreg:s7], $0x2FFFF;
	_ =	strace $0x9FFFFFFF  }
0xc3: {  	(tm) =	ssettm $0x7FFFFFFF  }
tec
execute0_lowered:
.L_overlay_start_1:
0x0: {  	(tag) =	ssettag $0x1  }
0x1: {  	s1 =	rddreg [dreg:$0x0]  }
0x2: {  	s2 =	rddreg [dreg:$0x2];
	s4 =	simm.s32 $0x0  }
0x3: {  	s0 =	srdreg.scid;
	s19 =	stileid.u32;
	s29 =	simm.s32 $0x800  }
0x4: {  	[smem:$0x7FF] =	sst s4;
	s3 =	sand.u32 $0x1, s0;
	s8 =	smul.u32 $0x61C0, s19  }
0x5: {  	s5 =	sadd.s32 $0x62400, s1;
	s12 =	sadd.s32 $0x7AC00, s1;
	s15 =	smul.u32 $0xC38, s19  }
0x6: {  	s16 =	smul.u32 $0x30E00, s19;
	s24 =	sshll.u32 s19, $0x6;
	s0 =	ssub.s32 $0x2, s3  }
0x7: {  	s7 =	smul.u32 $0x61C00, s3;
	_ =	strace $0x80000047;
	s3 =	sshll.u32 s3, $0x4  }
0x8: {  	s26 =	sor.u32 $0x1C05, s24;
	s6 =	sshrl.u32 s0, $0x1;
	s3 =	sor.u32 s19, s3  }
0x9: {  	s18 =	sadd.s32 $0x30E, s15;
	s20 =	sadd.s32 $0x495, s15;
	s21 =	sadd.s32 $0x61C, s15  }
0xa: {  	s22 =	sadd.s32 $0x7A3, s15;
	s23 =	sadd.s32 $0x92A, s15;
	s28 =	sadd.s32 $0xAB1, s15  }
0xb: {  	s16 =	sshrl.u32 s16, $0x2;
	[dreg:$0x5] =	wrdreg s26;
	s0 =	ssub.s32 s0, s6  }
0xc: {  	s10 =	sadd.s32 s8, s7;
	s3 =	smul.u32 $0xC400, s3;
	s13 =	sshrl.u32 s7, $0x3  }
0xd: {  	s11 =	sadd.s32 s12, s18;
	s14 =	sadd.s32 s12, s20;
	s9 =	sadd.s32 s12, s21  }
0xe: {  	s31 =	sadd.s32 s16, s2;
	s6 =	sshrl.u32 s10, $0x3;
	s17 =	sadd.s32 s12, s13  }
0xf: {  	s7 =	sadd.s32 s13, s11;
	s8 =	sadd.s32 s13, s14;
	s9 =	sadd.s32 s13, s9  }
0x10: {  	s10 =	sadd.s32 s12, s22;
	s11 =	sadd.s32 s12, s23;
	s14 =	sadd.s32 $0x400, s1  }
0x11: {  	s22 =	sshll.u32 s22, $0x4;
	s23 =	sshll.u32 s23, $0x4;
	s0 =	smax.u32 s0, $0x1  }
0x12: {  	[dreg:$0x4] =	wrdreg s31;
	s6 =	sadd.s32 s12, s6;
	s10 =	sadd.s32 s13, s10  }
0x13: {  	s11 =	sadd.s32 s13, s11;
	s12 =	sadd.s32 s12, s28;
	s25 =	sshrl.u32 s3, $0x3  }
0x14: {  	s19 =	sadd.s32 $0x400, s3;
	s28 =	sshll.u32 s28, $0x4;
	[dreg:$0x13] =	wrdreg s0  }
0x15: {  	s12 =	sadd.s32 s13, s12;
	s13 =	sadd.s32 $0x31400, s1;
	s16 =	sadd.s32 s14, s25  }
0x16: {  	s24 =	sor.u32 $0x40, s25;
	s30 =	sadd.s32 s13, s25;
	[dreg:$0x7] =	wrdreg s16  }
0x17: {  	s0 =	simm.s32 $0xA00;
	s25 =	sadd.s32 s13, s24;
	[dreg:$0x6] =	wrdreg s30  }
0x18: {  	s26 =	sshrl.u32 s19, $0x3;
	s1 =	sadd.s32 s14, s24;
	[dreg:$0x8] =	wrdreg s25  }
0x19: {  	s16 =	sadd.s32 $0x187, s15;
	s15 =	simm.s32 $0x4;
	[dreg:$0x9] =	wrdreg s1  }
0x1a: {  	s30 =	sadd.s32 s13, s26;
	s1 =	sadd.s32 s14, s26;
	s24 =	sadd.s32 s16, s17  }
0x1b: {  	s25 =	sadd.s32 $0x600, s3;
	s26 =	sadd.s32 $0x800, s3;
	s17 =	sshll.u32 s18, $0x4  }
0x1c: {  	s18 =	sshll.u32 s20, $0x4;
	s20 =	sshll.u32 s21, $0x4;
	[dreg:$0xa] =	wrdreg s30  }
0x1d: {  	s3 =	simm.s32 $0x1;
	[dreg:$0xb] =	wrdreg s1;
	s21 =	sadd.s32 s20, s2  }
0x1e: {  	s1 =	sshll.u32 s16, $0x4;
	s30 =	sadd.s32 s28, s2;
	[dreg:$0xf] =	wrdreg s21  }
0x1f: {  	s20 =	simm.s32 $0x200;
	s1 =	sadd.s32 s1, s2;
	[dreg:$0x12] =	wrdreg s30  }
0x20: {  	s21 =	simm.s32 $0x0;
	[dreg:$0xc] =	wrdreg s1;
	s1 =	sadd.s32 s17, s2  }
0x21: {  	s17 =	simm.s32 $0x5;
	[dreg:$0xd] =	wrdreg s1;
	s1 =	sadd.s32 s18, s2  }
0x22: {  	s18 =	simm.s32 $0xAC00;
	[dreg:$0xe] =	wrdreg s1;
	s1 =	sadd.s32 s22, s2  }
0x23: {  	s22 =	simm.s32 $0x2;
	[dreg:$0x10] =	wrdreg s1;
	s1 =	sadd.s32 s23, s2  }
0x24: {  	v0 =	vimm.s32 $0x3;
	s23 =	simm.s32 $0x400;
	[dreg:$0x11] =	wrdreg s1;
	s1 =	simm.s32 $0x3  }
.LBB2_1:
0x25: {  	[dreg:$0x14] =	wrdreg s21  }
0x26: {  	s16 =	sshrl.u32 s31, $0x3;
	s31 =	rddreg [dreg:$0x1]  }
0x27: {  	s28 =	rddreg [dreg:$0x5]  }
0x28: {  	[spmem:s16], [sflag:s28] =	dma.local [hbm:s31], $0x1870  }
0x29: {  	_ =	swait.ge [sflag:s17], $0x1870  }
0x2a: {  	[sflag:s17] =	ssyncset.done $0x0  }
0x2b: {  	[sflag:s17] =	ssyncadd.s32 $0xFFFFE790  }
0x2c: {  	[bflag:$0x0] =	sbarrier.arrive $0xFFFF  }
0x2d: {  	s21 =	rddreg [dreg:$0x6]  }
0x2e: {  	[tilespmem:s4], [sflag:$0x2] =	stream.linear.gather [hbm4b:s21+s4], $0x200, $0x38;
	[tilespmem:$0x1A7F0] =	vst v63  }
0x2f: {  	s16 =	rddreg [dreg:$0x7]  }
0x30: {  	[tilespmem:s20], [sflag:$0x2] =	stream.linear.gather [hbm4b:s16+s4], $0x200, $0x38;
	[tilespmem:$0x1A7F0] =	vst v63  }
0x31: {  	_ =	swait.ge [sflag:s22], $0x400  }
0x32: {  	[sflag:s22] =	ssyncset.done $0x0  }
0x33: {  	s31 =	simm.s32 $0xC00;
	[sflag:s22] =	ssyncadd.s32 $0xFFFFFC00  }
0x34: {  	[tilespmem:s31], [sflag:$0x1] =	stream.indirect.gather [hbm4b:s5+s23], $0x10, s4, s23, $0xb8;
	[tilespmem:$0x1A7F0] =	vst v63  }
0x35: {  	_ = 	snop  }
0x36: {  	[tilespmem:s29], [sflag:$0x3] =	stream.linear.gather [hbm4b:s16+s4], $0x200, $0x38;
	[tilespmem:$0x1A7F0] =	vst v63  }
0x37: {  	s21 =	rddreg [dreg:$0x8]  }
0x38: {  	[tilespmem:s23], [sflag:$0x2] =	stream.linear.gather [hbm4b:s21+s4], $0x200, $0x38;
	[tilespmem:$0x1A7F0] =	vst v63  }
0x39: {  	s31 =	simm.s32 $0x600;
	s16 =	rddreg [dreg:$0x9]  }
0x3a: {  	[tilespmem:s31], [sflag:$0x2] =	stream.linear.gather [hbm4b:s16+s4], $0x200, $0x38;
	[tilespmem:$0x1A7F0] =	vst v63  }
0x3b: {  	_ =	swait.ge [sflag:s22], $0x400  }
0x3c: {  	[sflag:s22] =	ssyncset.done $0x0  }
0x3d: {  	s31 =	simm.s32 $0x4C00;
	[sflag:s22] =	ssyncadd.s32 $0xFFFFFC00  }
0x3e: {  	[tilespmem:s31], [sflag:$0x1] =	stream.indirect.gather [hbm4b:s5+s23], $0x10, s23, s23, $0xb8;
	[tilespmem:$0x1A7F0] =	vst v63  }
0x3f: {  	_ = 	snop  }
0x40: {  	[tilespmem:s0], [sflag:$0x3] =	stream.linear.gather [hbm4b:s16+s4], $0x200, $0x38;
	[tilespmem:$0x1A7F0] =	vst v63  }
0x41: {  	_ =	swait.ge [sflag:s3], $0x4000  }
0x42: {  	[sflag:s3] =	ssyncset.done $0x0  }
0x43: {  	s31 =	simm.s32 $0x2C00;
	[sflag:s3] =	ssyncadd.s32 $0xFFFFC000  }
0x44: {  	v2 =	vld [tilespmem:s31+$0xFFFFE0F0]  }
0x45: {  	v3 =	vld [tilespmem:s31+$0xF0]  }
0x46: {  	v1 =	vld [tilespmem:s31+$0x0]  }
0x47: {  	v4 =	vld [tilespmem:s31+$0xFFFFE010]  }
0x48: {  	v5 =	vld [tilespmem:s31+$0x10]  }
0x49: {  	v6 =	vld [tilespmem:s31+$0xFFFFE020]  }
0x4a: {  	v7 =	vld [tilespmem:s31+$0x20]  }
0x4b: {  	v8 =	vld [tilespmem:s31+$0xFFFFE030]  }
0x4c: {  	v9 =	vld [tilespmem:s31+$0x30]  }
0x4d: {  	v10 =	vld [tilespmem:s31+$0xFFFFE040]  }
0x4e: {  	v11 =	vld [tilespmem:s31+$0x40]  }
0x4f: {  	v12 =	vld [tilespmem:s31+$0xFFFFE050]  }
0x50: {  	v13 =	vld [tilespmem:s31+$0x50]  }
0x51: {  	v14 =	vld [tilespmem:s31+$0xFFFFE060]  }
0x52: {  	v16 =	vld [tilespmem:s31+$0x60]  }
0x53: {  	v17 =	vld [tilespmem:s31+$0xFFFFE070];
	v15 =	vadd.f32 v3, v2  }
0x54: {  	v18 =	vld [tilespmem:s31+$0x70];
	v2 =	vsub.f32 v2, v3;
	v3 =	vadd.f32 v5, v4  }
0x55: {  	v19 =	vld [tilespmem:s31+$0xFFFFE080];
	v4 =	vsub.f32 v4, v5;
	v5 =	vadd.f32 v7, v6;
	v15 =	vperm.xlane v15, v0  }
0x56: {  	v20 =	vld [tilespmem:s31+$0x80];
	v6 =	vsub.f32 v6, v7;
	v7 =	vsub.f32 v8, v9;
	v3 =	vperm.xlane v3, v0  }
0x57: {  	v21 =	vld [tilespmem:s31+$0xA0];
	v5 =	vperm.xlane v5, v0;
	v2 =	vmul.f32 v15, v2;
	v15 =	vadd.f32 v9, v8  }
0x58: {  	v8 =	vld [tilespmem:s31+$0xFFFFE090];
	v3 =	vmul.f32 v3, v4;
	v9 =	vadd.f32 v11, v10;
	v10 =	vsub.f32 v10, v11  }
0x59: {  	v5 =	vmul.f32 v5, v6;
	v6 =	vadd.f32 v13, v12;
	v4 =	vperm.xlane v15, v0;
	v15 =	vld [tilespmem:s31+$0x90]  }
0x5a: {  	s21 =	simm.s32 $0x8C80;
	v11 =	vld [tilespmem:s31+$0xFFFFE0A0];
	v12 =	vsub.f32 v12, v13;
	v13 =	vadd.f32 v16, v14;
	v9 =	vperm.xlane v9, v0  }
0x5b: {  	v61 =	vsub.f32 v19, v20;
	[tilespmem:s21+$0x70] =	vst v2;
	v2 =	vmul.f32 v4, v7;
	v4 =	vperm.xlane v6, v0;
	v7 =	vld [tilespmem:s31+$0xFFFFE0B0]  }
0x5c: {  	[tilespmem:s21+$0xFFFFFF90] =	vst v3;
	v3 =	vmul.f32 v9, v10;
	v9 =	vperm.xlane v13, v0;
	v10 =	vadd.f32 v18, v17;
	v13 =	vld [tilespmem:s31+$0xB0]  }
0x5d: {  	v63 =	vld [tilespmem:s31+$0xC0];
	[tilespmem:s21+$0xFFFFFFA0] =	vst v5;
	v6 =	vsub.f32 v14, v16;
	v4 =	vmul.f32 v4, v12;
	v12 =	vadd.f32 v20, v19  }
0x5e: {  	v5 =	vsub.f32 v17, v18;
	v14 =	vld [tilespmem:s31+$0xFFFFE0C0];
	[tilespmem:s21+$0xFFFFFFB0] =	vst v2;
	v10 =	vperm.xlane v10, v0;
	v62 =	vadd.f32 v15, v8  }
0x5f: {  	[tilespmem:s21+$0xFFFFFFC0] =	vst v3;
	v3 =	vmul.f32 v9, v6;
	v2 =	vld [tilespmem:s31+$0xFFFFE0D0];
	v9 =	vsub.f32 v8, v15;
	v6 =	vperm.xlane v12, v0  }
0x60: {  	[tilespmem:s21+$0xFFFFFFD0] =	vst v4;
	v5 =	vmul.f32 v10, v5;
	v10 =	vadd.f32 v21, v11;
	v4 =	vld [tilespmem:s31+$0xD0];
	v12 =	vperm.xlane v62, v0  }
0x61: {  	v8 =	vsub.f32 v11, v21;
	[tilespmem:s21+$0xFFFFFFE0] =	vst v3;
	v3 =	vld [tilespmem:s31+$0xFFFFE0E0];
	v15 =	vadd.f32 v13, v7;
	v11 =	vmul.f32 v6, v61  }
0x62: {  	v7 =	vsub.f32 v7, v13;
	[tilespmem:s21+$0xFFFFFFF0] =	vst v5;
	v10 =	vperm.xlane v10, v0;
	v6 =	vld [tilespmem:s31+$0xE0];
	v12 =	vmul.f32 v12, v9  }
0x63: {  	s30 =	simm.s32 $0x2D00;
	s28 =	simm.s32 $0x0;
	v13 =	vadd.f32 v63, v14;
	v5 =	vld [tilespmem:s31+$0xFFFFE000];
	v9 =	vsub.f32 v14, v63;
	[tilespmem:s21+$0x0] =	vst v11;
	v11 =	vperm.xlane v15, v0  }
.LBB2_2:
0x64: {  	v14 =	vld [tilespmem:s30+$0xFFFFE0F0];
	[tilespmem:s21+$0x10] =	vst v12;
	v8 =	vmul.f32 v10, v8  }
0x65: {  	s28 =	sadd.s32 $0x10, s28;
	v10 =	vld [tilespmem:s30+$0xF0];
	v12 =	vperm.xlane v13, v0;
	v13 =	vadd.f32 v4, v2;
	v2 =	vsub.f32 v2, v4  }
0x66: {  	p0 =	slt.u32 s28, $0x1F0;
	v7 =	vmul.f32 v11, v7;
	v4 =	vld [tilespmem:s30+$0x0];
	[tilespmem:s21+$0x20] =	vst v8  }
0x67: {  	v8 =	vld [tilespmem:s30+$0xFFFFE010];
	v11 =	vperm.xlane v13, v0;
	v13 =	vadd.f32 v6, v3;
	v3 =	vsub.f32 v3, v6  }
0x68: {  	v16 =	vmul.f32 v12, v9;
	v6 =	vld [tilespmem:s30+$0x10];
	v15 =	vadd.f32 v1, v5;
	v5 =	vsub.f32 v5, v1;
	[tilespmem:s21+$0x30] =	vst v7  }
0x69: {  	v7 =	vld [tilespmem:s30+$0xFFFFE020];
	v2 =	vmul.f32 v11, v2;
	v9 =	vperm.xlane v13, v0  }
0x6a: {  	v11 =	vld [tilespmem:s30+$0x20];
	v12 =	vadd.f32 v10, v14;
	v13 =	vperm.xlane v15, v0;
	[tilespmem:s21+$0x40] =	vst v16  }
0x6b: {  	v15 =	vld [tilespmem:s30+$0xFFFFE030];
	[tilespmem:s21+$0x50] =	vst v2;
	v2 =	vmul.f32 v9, v3;
	v1 =	vmov v4  }
0x6c: {  	v9 =	vsub.f32 v14, v10;
	v3 =	vld [tilespmem:s30+$0x30];
	v4 =	vperm.xlane v12, v0;
	v5 =	vmul.f32 v13, v5  }
0x6d: {  	v10 =	vadd.f32 v6, v8;
	v6 =	vsub.f32 v8, v6;
	v8 =	vld [tilespmem:s30+$0xFFFFE040];
	[tilespmem:s21+$0x60] =	vst v2  }
0x6e: {  	v2 =	vld [tilespmem:s30+$0x40];
	v4 =	vmul.f32 v4, v9;
	[tilespmem:s21+$0xFFFFFF80] =	vst v5  }
0x6f: {  	s21 =	sadd.s32 $0x100, s21;
	v5 =	vperm.xlane v10, v0;
	v9 =	vadd.f32 v11, v7;
	v7 =	vsub.f32 v7, v11;
	v10 =	vld [tilespmem:s30+$0xFFFFE050]  }
0x70: {  	v11 =	vld [tilespmem:s30+$0x50];
	[tilespmem:s21+$0x70] =	vst v4  }
0x71: {  	v4 =	vperm.xlane v9, v0;
	v9 =	vadd.f32 v3, v15;
	v3 =	vsub.f32 v15, v3;
	v12 =	vld [tilespmem:s30+$0xFFFFE060]  }
0x72: {  	v5 =	vmul.f32 v5, v6;
	v6 =	vld [tilespmem:s30+$0x60]  }
0x73: {  	v9 =	vperm.xlane v9, v0;
	v13 =	vadd.f32 v2, v8;
	v2 =	vsub.f32 v8, v2;
	v8 =	vld [tilespmem:s30+$0xFFFFE070]  }
0x74: {  	v4 =	vmul.f32 v4, v7;
	[tilespmem:s21+$0xFFFFFF90] =	vst v5;
	v5 =	vld [tilespmem:s30+$0x70]  }
0x75: {  	v7 =	vperm.xlane v13, v0;
	v13 =	vadd.f32 v11, v10;
	v10 =	vsub.f32 v10, v11;
	v11 =	vld [tilespmem:s30+$0xFFFFE080]  }
0x76: {  	v3 =	vmul.f32 v9, v3;
	[tilespmem:s21+$0xFFFFFFA0] =	vst v4;
	v4 =	vld [tilespmem:s30+$0x80]  }
0x77: {  	v9 =	vperm.xlane v13, v0;
	v13 =	vadd.f32 v6, v12;
	v6 =	vsub.f32 v12, v6;
	v12 =	vld [tilespmem:s30+$0xFFFFE090]  }
0x78: {  	v2 =	vmul.f32 v7, v2;
	[tilespmem:s21+$0xFFFFFFB0] =	vst v3;
	v3 =	vld [tilespmem:s30+$0x90]  }
0x79: {  	v7 =	vperm.xlane v13, v0;
	v13 =	vadd.f32 v5, v8;
	v5 =	vsub.f32 v8, v5;
	v8 =	vld [tilespmem:s30+$0xFFFFE0A0]  }
0x7a: {  	[tilespmem:s21+$0xFFFFFFC0] =	vst v2;
	v2 =	vmul.f32 v9, v10;
	v9 =	vld [tilespmem:s30+$0xA0]  }
0x7b: {  	v10 =	vperm.xlane v13, v0;
	v13 =	vadd.f32 v4, v11;
	v4 =	vsub.f32 v11, v4;
	v11 =	vld [tilespmem:s30+$0xFFFFE0B0]  }
0x7c: {  	[tilespmem:s21+$0xFFFFFFD0] =	vst v2;
	v2 =	vmul.f32 v7, v6;
	v6 =	vld [tilespmem:s30+$0xB0]  }
0x7d: {  	v7 =	vperm.xlane v13, v0;
	v13 =	vadd.f32 v3, v12;
	v12 =	vsub.f32 v12, v3;
	v14 =	vld [tilespmem:s30+$0xFFFFE0C0]  }
0x7e: {  	v3 =	vmul.f32 v10, v5;
	[tilespmem:s21+$0xFFFFFFE0] =	vst v2;
	v15 =	vld [tilespmem:s30+$0xC0]  }
.Ltmp0:
0x7f: {  	v5 =	vperm.xlane v13, v0;
	v10 =	vadd.f32 v9, v8;
	v8 =	vsub.f32 v8, v9;
	v2 =	vld [tilespmem:s30+$0xFFFFE0D0];
	(pc) =	sbr.rel @p0 .LBB2_2-.Ltmp0, $4  }
0x80: {  	v9 =	vmul.f32 v7, v4;
	[tilespmem:s21+$0xFFFFFFF0] =	vst v3;
	v4 =	vld [tilespmem:s30+$0xD0]  }
0x81: {  	v10 =	vperm.xlane v10, v0;
	v13 =	vadd.f32 v6, v11;
	v7 =	vsub.f32 v11, v6;
	v3 =	vld [tilespmem:s30+$0xFFFFE0E0]  }
0x82: {  	v12 =	vmul.f32 v5, v12;
	[tilespmem:s21+$0x0] =	vst v9;
	v6 =	vld [tilespmem:s30+$0xE0]  }
0x83: {  	v5 =	vld [tilespmem:s30+$0xFFFFE000];
	v11 =	vperm.xlane v13, v0;
	v13 =	vadd.f32 v15, v14;
	v9 =	vsub.f32 v14, v15;
	s30 =	sadd.s32 $0x100, s30  }
0x84: {  	_ =	sdelay $0x1  }
0x85: {  	v8 =	vmul.f32 v10, v8;
	v59 =	vadd.f32 v4, v2  }
0x86: {  	v13 =	vperm.xlane v13, v0;
	v2 =	vsub.f32 v2, v4;
	v60 =	vadd.f32 v6, v3  }
0x87: {  	[tilespmem:s21+$0x10] =	vst v12;
	v7 =	vmul.f32 v11, v7;
	v10 =	vperm.xlane v59, v0;
	v61 =	vadd.f32 v1, v5  }
0x88: {  	[tilespmem:s21+$0x20] =	vst v8;
	v3 =	vsub.f32 v3, v6;
	v62 =	vmul.f32 v13, v9;
	v4 =	vperm.xlane v60, v0  }
0x89: {  	[tilespmem:s21+$0x30] =	vst v7;
	v1 =	vsub.f32 v5, v1;
	v2 =	vmul.f32 v10, v2;
	v63 =	vperm.xlane v61, v0  }
0x8a: {  	[tilespmem:s21+$0x40] =	vst v62;
	v3 =	vmul.f32 v4, v3  }
0x8b: {  	[tilespmem:s21+$0x50] =	vst v2;
	v1 =	vmul.f32 v63, v1  }
0x8c: {  	[tilespmem:s21+$0x60] =	vst v3  }
0x8d: {  	[tilespmem:s21+$0xFFFFFF80] =	vst v1  }
0x8e: {  	s21 =	simm.s32 $0x0;
	s16 =	rddreg [dreg:$0xa]  }
0x8f: {  	[tilespmem:s21], [sflag:$0x2] =	stream.linear.gather [hbm4b:s16+s21], $0x200, $0x38;
	[tilespmem:$0x1A7F0] =	vst v63  }
0x90: {  	s30 =	rddreg [dreg:$0xb]  }
0x91: {  	[tilespmem:s20], [sflag:$0x2] =	stream.linear.gather [hbm4b:s30+s21], $0x200, $0x38;
	[tilespmem:$0x1A7F0] =	vst v63  }
0x92: {  	_ =	swait.ge [sflag:s1], $0x200  }
0x93: {  	[sflag:s1] =	ssyncset.done $0x0  }
0x94: {  	s31 =	simm.s32 $0x8C00;
	[sflag:s1] =	ssyncadd.s32 $0xFFFFFE00  }
0x95: {  	[spmem:s2] =	stream.indirect.scatter.add.f32 [tilespmem:s31], [sflag:$0x4], $0x10, s29, s20, $0xb8;
	[tilespmem:$0x1A7F0] =	vst v63  }
.LBB2_4:
0x96: {  	_ =	swait.ge [sflag:s15], $0x2000  }
0x97: {  	[sflag:s15] =	ssyncset.done $0x0  }
0x98: {  	[sflag:s15] =	ssyncadd.s32 $0xFFFFE000  }
0x99: {  	_ =	swait.ge [sflag:s22], $0x400  }
0x9a: {  	[sflag:s22] =	ssyncset.done $0x0  }
0x9b: {  	s28 =	sshll.u32 s21, $0xA;
	s16 =	simm.s32 $0xC00;
	[sflag:s22] =	ssyncadd.s32 $0xFFFFFC00  }
0x9c: {  	[tilespmem:s16], [sflag:$0x1] =	stream.indirect.gather [hbm4b:s5+s23], $0x10, s4, s23, $0xb8;
	[tilespmem:$0x1A7F0] =	vst v63  }
0x9d: {  	s16 =	sadd.s32 s28, s19  }
0x9e: {  	s16 =	sshrl.u32 s16, $0x3  }
0x9f: {  	s16 =	sadd.s32 s14, s16  }
0xa0: {  	[tilespmem:s29], [sflag:$0x3] =	stream.linear.gather [hbm4b:s16+s4], $0x200, $0x38;
	[tilespmem:$0x1A7F0] =	vst v63  }
0xa1: {  	_ =	swait.ge [sflag:s3], $0x4000  }
0xa2: {  	[sflag:s3] =	ssyncset.done $0x0  }
0xa3: {  	s16 =	simm.s32 $0x6C00;
	[sflag:s3] =	ssyncadd.s32 $0xFFFFC000  }
0xa4: {  	v2 =	vld [tilespmem:s16+$0xFFFFE0F0]  }
0xa5: {  	v3 =	vld [tilespmem:s16+$0xF0]  }
0xa6: {  	v1 =	vld [tilespmem:s16+$0x0]  }
0xa7: {  	v4 =	vld [tilespmem:s16+$0xFFFFE010]  }
0xa8: {  	v5 =	vld [tilespmem:s16+$0x10]  }
0xa9: {  	v6 =	vld [tilespmem:s16+$0xFFFFE020]  }
0xaa: {  	v7 =	vld [tilespmem:s16+$0x20]  }
0xab: {  	v8 =	vld [tilespmem:s16+$0xFFFFE030]  }
0xac: {  	v9 =	vld [tilespmem:s16+$0x30]  }
0xad: {  	v10 =	vld [tilespmem:s16+$0xFFFFE040]  }
0xae: {  	v11 =	vld [tilespmem:s16+$0x40]  }
0xaf: {  	v12 =	vld [tilespmem:s16+$0xFFFFE050]  }
0xb0: {  	v13 =	vld [tilespmem:s16+$0x50]  }
0xb1: {  	v14 =	vld [tilespmem:s16+$0xFFFFE060]  }
0xb2: {  	v16 =	vld [tilespmem:s16+$0x60]  }
0xb3: {  	v17 =	vld [tilespmem:s16+$0xFFFFE070];
	v15 =	vadd.f32 v3, v2  }
0xb4: {  	v18 =	vld [tilespmem:s16+$0x70];
	v2 =	vsub.f32 v2, v3;
	v3 =	vadd.f32 v5, v4  }
0xb5: {  	v19 =	vld [tilespmem:s16+$0xFFFFE080];
	v4 =	vsub.f32 v4, v5;
	v5 =	vadd.f32 v7, v6;
	v15 =	vperm.xlane v15, v0  }
0xb6: {  	v20 =	vld [tilespmem:s16+$0x80];
	v6 =	vsub.f32 v6, v7;
	v7 =	vsub.f32 v8, v9;
	v3 =	vperm.xlane v3, v0  }
0xb7: {  	v21 =	vld [tilespmem:s16+$0xA0];
	v5 =	vperm.xlane v5, v0;
	v2 =	vmul.f32 v15, v2;
	v15 =	vadd.f32 v9, v8  }
0xb8: {  	v8 =	vld [tilespmem:s16+$0xFFFFE090];
	v3 =	vmul.f32 v3, v4;
	v9 =	vadd.f32 v11, v10;
	v10 =	vsub.f32 v10, v11  }
0xb9: {  	v5 =	vmul.f32 v5, v6;
	v6 =	vadd.f32 v13, v12;
	v4 =	vperm.xlane v15, v0;
	v15 =	vld [tilespmem:s16+$0x90]  }
0xba: {  	s30 =	simm.s32 $0xAC80;
	v11 =	vld [tilespmem:s16+$0xFFFFE0A0];
	v12 =	vsub.f32 v12, v13;
	v13 =	vadd.f32 v16, v14;
	v9 =	vperm.xlane v9, v0  }
0xbb: {  	v61 =	vsub.f32 v19, v20;
	[tilespmem:s30+$0x70] =	vst v2;
	v2 =	vmul.f32 v4, v7;
	v4 =	vperm.xlane v6, v0;
	v7 =	vld [tilespmem:s16+$0xFFFFE0B0]  }
0xbc: {  	[tilespmem:s30+$0xFFFFFF90] =	vst v3;
	v3 =	vmul.f32 v9, v10;
	v9 =	vperm.xlane v13, v0;
	v10 =	vadd.f32 v18, v17;
	v13 =	vld [tilespmem:s16+$0xB0]  }
0xbd: {  	v63 =	vld [tilespmem:s16+$0xC0];
	[tilespmem:s30+$0xFFFFFFA0] =	vst v5;
	v6 =	vsub.f32 v14, v16;
	v4 =	vmul.f32 v4, v12;
	v12 =	vadd.f32 v20, v19  }
0xbe: {  	v5 =	vsub.f32 v17, v18;
	v14 =	vld [tilespmem:s16+$0xFFFFE0C0];
	[tilespmem:s30+$0xFFFFFFB0] =	vst v2;
	v10 =	vperm.xlane v10, v0;
	v62 =	vadd.f32 v15, v8  }
0xbf: {  	[tilespmem:s30+$0xFFFFFFC0] =	vst v3;
	v3 =	vmul.f32 v9, v6;
	v2 =	vld [tilespmem:s16+$0xFFFFE0D0];
	v9 =	vsub.f32 v8, v15;
	v6 =	vperm.xlane v12, v0  }
0xc0: {  	[tilespmem:s30+$0xFFFFFFD0] =	vst v4;
	v5 =	vmul.f32 v10, v5;
	v10 =	vadd.f32 v21, v11;
	v4 =	vld [tilespmem:s16+$0xD0];
	v12 =	vperm.xlane v62, v0  }
0xc1: {  	v8 =	vsub.f32 v11, v21;
	[tilespmem:s30+$0xFFFFFFE0] =	vst v3;
	v3 =	vld [tilespmem:s16+$0xFFFFE0E0];
	v15 =	vadd.f32 v13, v7;
	v11 =	vmul.f32 v6, v61  }
0xc2: {  	v7 =	vsub.f32 v7, v13;
	[tilespmem:s30+$0xFFFFFFF0] =	vst v5;
	v10 =	vperm.xlane v10, v0;
	v6 =	vld [tilespmem:s16+$0xE0];
	v12 =	vmul.f32 v12, v9  }
0xc3: {  	s31 =	simm.s32 $0x0;
	v13 =	vadd.f32 v63, v14;
	v5 =	vld [tilespmem:s16+$0xFFFFE000];
	s16 =	simm.s32 $0x6D00;
	v9 =	vsub.f32 v14, v63;
	[tilespmem:s30+$0x0] =	vst v11;
	v11 =	vperm.xlane v15, v0  }
.LBB2_5:
0xc4: {  	v14 =	vld [tilespmem:s16+$0xFFFFE0F0];
	[tilespmem:s30+$0x10] =	vst v12;
	v8 =	vmul.f32 v10, v8  }
0xc5: {  	s31 =	sadd.s32 $0x10, s31;
	v10 =	vld [tilespmem:s16+$0xF0];
	v12 =	vperm.xlane v13, v0;
	v13 =	vadd.f32 v4, v2;
	v2 =	vsub.f32 v2, v4  }
0xc6: {  	p0 =	slt.u32 s31, $0x1F0;
	v7 =	vmul.f32 v11, v7;
	v4 =	vld [tilespmem:s16+$0x0];
	[tilespmem:s30+$0x20] =	vst v8  }
0xc7: {  	v8 =	vld [tilespmem:s16+$0xFFFFE010];
	v11 =	vperm.xlane v13, v0;
	v13 =	vadd.f32 v6, v3;
	v3 =	vsub.f32 v3, v6  }
0xc8: {  	v16 =	vmul.f32 v12, v9;
	v6 =	vld [tilespmem:s16+$0x10];
	v15 =	vadd.f32 v1, v5;
	v5 =	vsub.f32 v5, v1;
	[tilespmem:s30+$0x30] =	vst v7  }
0xc9: {  	v7 =	vld [tilespmem:s16+$0xFFFFE020];
	v2 =	vmul.f32 v11, v2;
	v9 =	vperm.xlane v13, v0  }
0xca: {  	v11 =	vld [tilespmem:s16+$0x20];
	v12 =	vadd.f32 v10, v14;
	v13 =	vperm.xlane v15, v0;
	[tilespmem:s30+$0x40] =	vst v16  }
0xcb: {  	v15 =	vld [tilespmem:s16+$0xFFFFE030];
	[tilespmem:s30+$0x50] =	vst v2;
	v2 =	vmul.f32 v9, v3;
	v1 =	vmov v4  }
0xcc: {  	v9 =	vsub.f32 v14, v10;
	v3 =	vld [tilespmem:s16+$0x30];
	v4 =	vperm.xlane v12, v0;
	v5 =	vmul.f32 v13, v5  }
0xcd: {  	v10 =	vadd.f32 v6, v8;
	v6 =	vsub.f32 v8, v6;
	v8 =	vld [tilespmem:s16+$0xFFFFE040];
	[tilespmem:s30+$0x60] =	vst v2  }
0xce: {  	v2 =	vld [tilespmem:s16+$0x40];
	v4 =	vmul.f32 v4, v9;
	[tilespmem:s30+$0xFFFFFF80] =	vst v5  }
0xcf: {  	s30 =	sadd.s32 $0x100, s30;
	v5 =	vperm.xlane v10, v0;
	v9 =	vadd.f32 v11, v7;
	v7 =	vsub.f32 v7, v11;
	v10 =	vld [tilespmem:s16+$0xFFFFE050]  }
0xd0: {  	v11 =	vld [tilespmem:s16+$0x50];
	[tilespmem:s30+$0x70] =	vst v4  }
0xd1: {  	v4 =	vperm.xlane v9, v0;
	v9 =	vadd.f32 v3, v15;
	v3 =	vsub.f32 v15, v3;
	v12 =	vld [tilespmem:s16+$0xFFFFE060]  }
0xd2: {  	v5 =	vmul.f32 v5, v6;
	v6 =	vld [tilespmem:s16+$0x60]  }
0xd3: {  	v9 =	vperm.xlane v9, v0;
	v13 =	vadd.f32 v2, v8;
	v2 =	vsub.f32 v8, v2;
	v8 =	vld [tilespmem:s16+$0xFFFFE070]  }
0xd4: {  	v4 =	vmul.f32 v4, v7;
	[tilespmem:s30+$0xFFFFFF90] =	vst v5;
	v5 =	vld [tilespmem:s16+$0x70]  }
0xd5: {  	v7 =	vperm.xlane v13, v0;
	v13 =	vadd.f32 v11, v10;
	v10 =	vsub.f32 v10, v11;
	v11 =	vld [tilespmem:s16+$0xFFFFE080]  }
0xd6: {  	v3 =	vmul.f32 v9, v3;
	[tilespmem:s30+$0xFFFFFFA0] =	vst v4;
	v4 =	vld [tilespmem:s16+$0x80]  }
0xd7: {  	v9 =	vperm.xlane v13, v0;
	v13 =	vadd.f32 v6, v12;
	v6 =	vsub.f32 v12, v6;
	v12 =	vld [tilespmem:s16+$0xFFFFE090]  }
0xd8: {  	v2 =	vmul.f32 v7, v2;
	[tilespmem:s30+$0xFFFFFFB0] =	vst v3;
	v3 =	vld [tilespmem:s16+$0x90]  }
0xd9: {  	v7 =	vperm.xlane v13, v0;
	v13 =	vadd.f32 v5, v8;
	v5 =	vsub.f32 v8, v5;
	v8 =	vld [tilespmem:s16+$0xFFFFE0A0]  }
0xda: {  	[tilespmem:s30+$0xFFFFFFC0] =	vst v2;
	v2 =	vmul.f32 v9, v10;
	v9 =	vld [tilespmem:s16+$0xA0]  }
0xdb: {  	v10 =	vperm.xlane v13, v0;
	v13 =	vadd.f32 v4, v11;
	v4 =	vsub.f32 v11, v4;
	v11 =	vld [tilespmem:s16+$0xFFFFE0B0]  }
0xdc: {  	[tilespmem:s30+$0xFFFFFFD0] =	vst v2;
	v2 =	vmul.f32 v7, v6;
	v6 =	vld [tilespmem:s16+$0xB0]  }
0xdd: {  	v7 =	vperm.xlane v13, v0;
	v13 =	vadd.f32 v3, v12;
	v12 =	vsub.f32 v12, v3;
	v14 =	vld [tilespmem:s16+$0xFFFFE0C0]  }
0xde: {  	v3 =	vmul.f32 v10, v5;
	[tilespmem:s30+$0xFFFFFFE0] =	vst v2;
	v15 =	vld [tilespmem:s16+$0xC0]  }
.Ltmp1:
0xdf: {  	v5 =	vperm.xlane v13, v0;
	v10 =	vadd.f32 v9, v8;
	v8 =	vsub.f32 v8, v9;
	v2 =	vld [tilespmem:s16+$0xFFFFE0D0];
	(pc) =	sbr.rel @p0 .LBB2_5-.Ltmp1, $4  }
0xe0: {  	v9 =	vmul.f32 v7, v4;
	[tilespmem:s30+$0xFFFFFFF0] =	vst v3;
	v4 =	vld [tilespmem:s16+$0xD0]  }
0xe1: {  	v10 =	vperm.xlane v10, v0;
	v13 =	vadd.f32 v6, v11;
	v7 =	vsub.f32 v11, v6;
	v3 =	vld [tilespmem:s16+$0xFFFFE0E0]  }
0xe2: {  	v12 =	vmul.f32 v5, v12;
	[tilespmem:s30+$0x0] =	vst v9;
	v6 =	vld [tilespmem:s16+$0xE0]  }
0xe3: {  	v5 =	vld [tilespmem:s16+$0xFFFFE000];
	v11 =	vperm.xlane v13, v0;
	v13 =	vadd.f32 v15, v14;
	v9 =	vsub.f32 v14, v15;
	s16 =	sadd.s32 $0x100, s16  }
0xe4: {  	_ =	sdelay $0x1  }
0xe5: {  	v8 =	vmul.f32 v10, v8;
	v10 =	vadd.f32 v4, v2  }
0xe6: {  	v13 =	vperm.xlane v13, v0;
	v2 =	vsub.f32 v2, v4;
	v4 =	vadd.f32 v6, v3  }
0xe7: {  	[tilespmem:s30+$0x10] =	vst v12;
	v7 =	vmul.f32 v11, v7;
	v10 =	vperm.xlane v10, v0;
	v11 =	vadd.f32 v1, v5  }
0xe8: {  	[tilespmem:s30+$0x20] =	vst v8;
	v3 =	vsub.f32 v3, v6;
	v6 =	vmul.f32 v13, v9;
	v4 =	vperm.xlane v4, v0  }
0xe9: {  	[tilespmem:s30+$0x30] =	vst v7;
	v1 =	vsub.f32 v5, v1;
	v2 =	vmul.f32 v10, v2;
	v5 =	vperm.xlane v11, v0  }
0xea: {  	[tilespmem:s30+$0x40] =	vst v6;
	v3 =	vmul.f32 v4, v3  }
0xeb: {  	s16 =	sadd.s32 s28, s25;
	[tilespmem:s30+$0x50] =	vst v2;
	v1 =	vmul.f32 v5, v1  }
0xec: {  	s16 =	sshrl.u32 s16, $0x3;
	[tilespmem:s30+$0x60] =	vst v3  }
0xed: {  	[tilespmem:s30+$0xFFFFFF80] =	vst v1;
	s30 =	sadd.s32 s13, s16  }
0xee: {  	[tilespmem:s23], [sflag:$0x2] =	stream.linear.gather [hbm4b:s30+s4], $0x200, $0x38;
	[tilespmem:$0x1A7F0] =	vst v63  }
0xef: {  	s16 =	sadd.s32 s14, s16;
	s30 =	simm.s32 $0x600  }
0xf0: {  	[tilespmem:s30], [sflag:$0x2] =	stream.linear.gather [hbm4b:s16+s4], $0x200, $0x38;
	[tilespmem:$0x1A7F0] =	vst v63  }
0xf1: {  	_ =	swait.ge [sflag:s1], $0x200  }
0xf2: {  	[sflag:s1] =	ssyncset.done $0x0  }
0xf3: {  	[sflag:s1] =	ssyncadd.s32 $0xFFFFFE00  }
0xf4: {  	[spmem:s2] =	stream.indirect.scatter.add.f32 [tilespmem:s18], [sflag:$0x4], $0x10, s0, s20, $0xb8;
	[tilespmem:$0x1A7F0] =	vst v63  }
0xf5: {  	_ =	swait.ge [sflag:s15], $0x2000  }
0xf6: {  	[sflag:s15] =	ssyncset.done $0x0  }
0xf7: {  	[sflag:s15] =	ssyncadd.s32 $0xFFFFE000  }
0xf8: {  	_ =	swait.ge [sflag:s22], $0x400  }
0xf9: {  	[sflag:s22] =	ssyncset.done $0x0  }
0xfa: {  	s30 =	simm.s32 $0x4C00;
	[sflag:s22] =	ssyncadd.s32 $0xFFFFFC00  }
0xfb: {  	[tilespmem:s30], [sflag:$0x1] =	stream.indirect.gather [hbm4b:s5+s23], $0x10, s23, s23, $0xb8;
	[tilespmem:$0x1A7F0] =	vst v63  }
0xfc: {  	_ = 	snop  }
0xfd: {  	[tilespmem:s0], [sflag:$0x3] =	stream.linear.gather [hbm4b:s16+s4], $0x200, $0x38;
	[tilespmem:$0x1A7F0] =	vst v63  }
0xfe: {  	_ =	swait.ge [sflag:s3], $0x4000  }
0xff: {  	[sflag:s3] =	ssyncset.done $0x0  }
0x100: {  	s16 =	simm.s32 $0x2C00;
	[sflag:s3] =	ssyncadd.s32 $0xFFFFC000  }
0x101: {  	v2 =	vld [tilespmem:s16+$0xFFFFE0F0]  }
0x102: {  	v3 =	vld [tilespmem:s16+$0xF0]  }
0x103: {  	v1 =	vld [tilespmem:s16+$0x0]  }
0x104: {  	v4 =	vld [tilespmem:s16+$0xFFFFE010]  }
0x105: {  	v5 =	vld [tilespmem:s16+$0x10]  }
0x106: {  	v6 =	vld [tilespmem:s16+$0xFFFFE020]  }
0x107: {  	v7 =	vld [tilespmem:s16+$0x20]  }
0x108: {  	v8 =	vld [tilespmem:s16+$0xFFFFE030]  }
0x109: {  	v9 =	vld [tilespmem:s16+$0x30]  }
0x10a: {  	v10 =	vld [tilespmem:s16+$0xFFFFE040]  }
0x10b: {  	v11 =	vld [tilespmem:s16+$0x40]  }
0x10c: {  	v12 =	vld [tilespmem:s16+$0xFFFFE050]  }
0x10d: {  	v13 =	vld [tilespmem:s16+$0x50]  }
0x10e: {  	v14 =	vld [tilespmem:s16+$0xFFFFE060]  }
0x10f: {  	v16 =	vld [tilespmem:s16+$0x60]  }
0x110: {  	v17 =	vld [tilespmem:s16+$0xFFFFE070];
	v15 =	vadd.f32 v3, v2  }
0x111: {  	v18 =	vld [tilespmem:s16+$0x70];
	v2 =	vsub.f32 v2, v3;
	v3 =	vadd.f32 v5, v4  }
0x112: {  	v19 =	vld [tilespmem:s16+$0xFFFFE080];
	v4 =	vsub.f32 v4, v5;
	v5 =	vadd.f32 v7, v6;
	v15 =	vperm.xlane v15, v0  }
0x113: {  	v20 =	vld [tilespmem:s16+$0x80];
	v6 =	vsub.f32 v6, v7;
	v7 =	vsub.f32 v8, v9;
	v3 =	vperm.xlane v3, v0  }
0x114: {  	v21 =	vld [tilespmem:s16+$0xA0];
	v5 =	vperm.xlane v5, v0;
	v2 =	vmul.f32 v15, v2;
	v15 =	vadd.f32 v9, v8  }
0x115: {  	v8 =	vld [tilespmem:s16+$0xFFFFE090];
	v3 =	vmul.f32 v3, v4;
	v9 =	vadd.f32 v11, v10;
	v10 =	vsub.f32 v10, v11  }
0x116: {  	v5 =	vmul.f32 v5, v6;
	v6 =	vadd.f32 v13, v12;
	v4 =	vperm.xlane v15, v0;
	v15 =	vld [tilespmem:s16+$0x90]  }
0x117: {  	s30 =	simm.s32 $0x8C80;
	v11 =	vld [tilespmem:s16+$0xFFFFE0A0];
	v12 =	vsub.f32 v12, v13;
	v13 =	vadd.f32 v16, v14;
	v9 =	vperm.xlane v9, v0  }
0x118: {  	v61 =	vsub.f32 v19, v20;
	[tilespmem:s30+$0x70] =	vst v2;
	v2 =	vmul.f32 v4, v7;
	v4 =	vperm.xlane v6, v0;
	v7 =	vld [tilespmem:s16+$0xFFFFE0B0]  }
0x119: {  	[tilespmem:s30+$0xFFFFFF90] =	vst v3;
	v3 =	vmul.f32 v9, v10;
	v9 =	vperm.xlane v13, v0;
	v10 =	vadd.f32 v18, v17;
	v13 =	vld [tilespmem:s16+$0xB0]  }
0x11a: {  	v63 =	vld [tilespmem:s16+$0xC0];
	[tilespmem:s30+$0xFFFFFFA0] =	vst v5;
	v6 =	vsub.f32 v14, v16;
	v4 =	vmul.f32 v4, v12;
	v12 =	vadd.f32 v20, v19  }
0x11b: {  	v5 =	vsub.f32 v17, v18;
	v14 =	vld [tilespmem:s16+$0xFFFFE0C0];
	[tilespmem:s30+$0xFFFFFFB0] =	vst v2;
	v10 =	vperm.xlane v10, v0;
	v62 =	vadd.f32 v15, v8  }
0x11c: {  	[tilespmem:s30+$0xFFFFFFC0] =	vst v3;
	v3 =	vmul.f32 v9, v6;
	v2 =	vld [tilespmem:s16+$0xFFFFE0D0];
	v9 =	vsub.f32 v8, v15;
	v6 =	vperm.xlane v12, v0  }
0x11d: {  	[tilespmem:s30+$0xFFFFFFD0] =	vst v4;
	v5 =	vmul.f32 v10, v5;
	v10 =	vadd.f32 v21, v11;
	v4 =	vld [tilespmem:s16+$0xD0];
	v12 =	vperm.xlane v62, v0  }
0x11e: {  	v8 =	vsub.f32 v11, v21;
	[tilespmem:s30+$0xFFFFFFE0] =	vst v3;
	v3 =	vld [tilespmem:s16+$0xFFFFE0E0];
	v15 =	vadd.f32 v13, v7;
	v11 =	vmul.f32 v6, v61  }
0x11f: {  	v7 =	vsub.f32 v7, v13;
	[tilespmem:s30+$0xFFFFFFF0] =	vst v5;
	v10 =	vperm.xlane v10, v0;
	v6 =	vld [tilespmem:s16+$0xE0];
	v12 =	vmul.f32 v12, v9  }
0x120: {  	s31 =	simm.s32 $0x0;
	v13 =	vadd.f32 v63, v14;
	v5 =	vld [tilespmem:s16+$0xFFFFE000];
	s16 =	simm.s32 $0x2D00;
	v9 =	vsub.f32 v14, v63;
	[tilespmem:s30+$0x0] =	vst v11;
	v11 =	vperm.xlane v15, v0  }
.LBB2_7:
0x121: {  	v14 =	vld [tilespmem:s16+$0xFFFFE0F0];
	[tilespmem:s30+$0x10] =	vst v12;
	v8 =	vmul.f32 v10, v8  }
0x122: {  	s31 =	sadd.s32 $0x10, s31;
	v10 =	vld [tilespmem:s16+$0xF0];
	v12 =	vperm.xlane v13, v0;
	v13 =	vadd.f32 v4, v2;
	v2 =	vsub.f32 v2, v4  }
0x123: {  	p0 =	slt.u32 s31, $0x1F0;
	v7 =	vmul.f32 v11, v7;
	v4 =	vld [tilespmem:s16+$0x0];
	[tilespmem:s30+$0x20] =	vst v8  }
0x124: {  	v8 =	vld [tilespmem:s16+$0xFFFFE010];
	v11 =	vperm.xlane v13, v0;
	v13 =	vadd.f32 v6, v3;
	v3 =	vsub.f32 v3, v6  }
0x125: {  	v16 =	vmul.f32 v12, v9;
	v6 =	vld [tilespmem:s16+$0x10];
	v15 =	vadd.f32 v1, v5;
	v5 =	vsub.f32 v5, v1;
	[tilespmem:s30+$0x30] =	vst v7  }
0x126: {  	v7 =	vld [tilespmem:s16+$0xFFFFE020];
	v2 =	vmul.f32 v11, v2;
	v9 =	vperm.xlane v13, v0  }
0x127: {  	v11 =	vld [tilespmem:s16+$0x20];
	v12 =	vadd.f32 v10, v14;
	v13 =	vperm.xlane v15, v0;
	[tilespmem:s30+$0x40] =	vst v16  }
0x128: {  	v15 =	vld [tilespmem:s16+$0xFFFFE030];
	[tilespmem:s30+$0x50] =	vst v2;
	v2 =	vmul.f32 v9, v3;
	v1 =	vmov v4  }
0x129: {  	v9 =	vsub.f32 v14, v10;
	v3 =	vld [tilespmem:s16+$0x30];
	v4 =	vperm.xlane v12, v0;
	v5 =	vmul.f32 v13, v5  }
0x12a: {  	v10 =	vadd.f32 v6, v8;
	v6 =	vsub.f32 v8, v6;
	v8 =	vld [tilespmem:s16+$0xFFFFE040];
	[tilespmem:s30+$0x60] =	vst v2  }
0x12b: {  	v2 =	vld [tilespmem:s16+$0x40];
	v4 =	vmul.f32 v4, v9;
	[tilespmem:s30+$0xFFFFFF80] =	vst v5  }
0x12c: {  	s30 =	sadd.s32 $0x100, s30;
	v5 =	vperm.xlane v10, v0;
	v9 =	vadd.f32 v11, v7;
	v7 =	vsub.f32 v7, v11;
	v10 =	vld [tilespmem:s16+$0xFFFFE050]  }
0x12d: {  	v11 =	vld [tilespmem:s16+$0x50];
	[tilespmem:s30+$0x70] =	vst v4  }
0x12e: {  	v4 =	vperm.xlane v9, v0;
	v9 =	vadd.f32 v3, v15;
	v3 =	vsub.f32 v15, v3;
	v12 =	vld [tilespmem:s16+$0xFFFFE060]  }
0x12f: {  	v5 =	vmul.f32 v5, v6;
	v6 =	vld [tilespmem:s16+$0x60]  }
0x130: {  	v9 =	vperm.xlane v9, v0;
	v13 =	vadd.f32 v2, v8;
	v2 =	vsub.f32 v8, v2;
	v8 =	vld [tilespmem:s16+$0xFFFFE070]  }
0x131: {  	v4 =	vmul.f32 v4, v7;
	[tilespmem:s30+$0xFFFFFF90] =	vst v5;
	v5 =	vld [tilespmem:s16+$0x70]  }
0x132: {  	v7 =	vperm.xlane v13, v0;
	v13 =	vadd.f32 v11, v10;
	v10 =	vsub.f32 v10, v11;
	v11 =	vld [tilespmem:s16+$0xFFFFE080]  }
0x133: {  	v3 =	vmul.f32 v9, v3;
	[tilespmem:s30+$0xFFFFFFA0] =	vst v4;
	v4 =	vld [tilespmem:s16+$0x80]  }
0x134: {  	v9 =	vperm.xlane v13, v0;
	v13 =	vadd.f32 v6, v12;
	v6 =	vsub.f32 v12, v6;
	v12 =	vld [tilespmem:s16+$0xFFFFE090]  }
0x135: {  	v2 =	vmul.f32 v7, v2;
	[tilespmem:s30+$0xFFFFFFB0] =	vst v3;
	v3 =	vld [tilespmem:s16+$0x90]  }
0x136: {  	v7 =	vperm.xlane v13, v0;
	v13 =	vadd.f32 v5, v8;
	v5 =	vsub.f32 v8, v5;
	v8 =	vld [tilespmem:s16+$0xFFFFE0A0]  }
0x137: {  	[tilespmem:s30+$0xFFFFFFC0] =	vst v2;
	v2 =	vmul.f32 v9, v10;
	v9 =	vld [tilespmem:s16+$0xA0]  }
0x138: {  	v10 =	vperm.xlane v13, v0;
	v13 =	vadd.f32 v4, v11;
	v4 =	vsub.f32 v11, v4;
	v11 =	vld [tilespmem:s16+$0xFFFFE0B0]  }
0x139: {  	[tilespmem:s30+$0xFFFFFFD0] =	vst v2;
	v2 =	vmul.f32 v7, v6;
	v6 =	vld [tilespmem:s16+$0xB0]  }
0x13a: {  	v7 =	vperm.xlane v13, v0;
	v13 =	vadd.f32 v3, v12;
	v12 =	vsub.f32 v12, v3;
	v14 =	vld [tilespmem:s16+$0xFFFFE0C0]  }
0x13b: {  	v3 =	vmul.f32 v10, v5;
	[tilespmem:s30+$0xFFFFFFE0] =	vst v2;
	v15 =	vld [tilespmem:s16+$0xC0]  }
.Ltmp2:
0x13c: {  	v5 =	vperm.xlane v13, v0;
	v10 =	vadd.f32 v9, v8;
	v8 =	vsub.f32 v8, v9;
	v2 =	vld [tilespmem:s16+$0xFFFFE0D0];
	(pc) =	sbr.rel @p0 .LBB2_7-.Ltmp2, $4  }
0x13d: {  	v9 =	vmul.f32 v7, v4;
	[tilespmem:s30+$0xFFFFFFF0] =	vst v3;
	v4 =	vld [tilespmem:s16+$0xD0]  }
0x13e: {  	v10 =	vperm.xlane v10, v0;
	v13 =	vadd.f32 v6, v11;
	v7 =	vsub.f32 v11, v6;
	v3 =	vld [tilespmem:s16+$0xFFFFE0E0]  }
0x13f: {  	v12 =	vmul.f32 v5, v12;
	[tilespmem:s30+$0x0] =	vst v9;
	v6 =	vld [tilespmem:s16+$0xE0]  }
0x140: {  	v5 =	vld [tilespmem:s16+$0xFFFFE000];
	v11 =	vperm.xlane v13, v0;
	v13 =	vadd.f32 v15, v14;
	v9 =	vsub.f32 v14, v15;
	s16 =	sadd.s32 $0x100, s16  }
0x141: {  	_ =	sdelay $0x1  }
0x142: {  	v8 =	vmul.f32 v10, v8;
	v59 =	vadd.f32 v4, v2  }
0x143: {  	v13 =	vperm.xlane v13, v0;
	v2 =	vsub.f32 v2, v4;
	v60 =	vadd.f32 v6, v3  }
0x144: {  	[tilespmem:s30+$0x10] =	vst v12;
	v7 =	vmul.f32 v11, v7;
	v10 =	vperm.xlane v59, v0;
	v61 =	vadd.f32 v1, v5  }
0x145: {  	[tilespmem:s30+$0x20] =	vst v8;
	v3 =	vsub.f32 v3, v6;
	v62 =	vmul.f32 v13, v9;
	v4 =	vperm.xlane v60, v0  }
0x146: {  	[tilespmem:s30+$0x30] =	vst v7;
	v1 =	vsub.f32 v5, v1;
	v2 =	vmul.f32 v10, v2;
	v63 =	vperm.xlane v61, v0  }
0x147: {  	s16 =	sadd.s32 s28, s26;
	[tilespmem:s30+$0x40] =	vst v62;
	v3 =	vmul.f32 v4, v3  }
0x148: {  	s16 =	smin.u32 s16, $0x187E00;
	[tilespmem:s30+$0x50] =	vst v2;
	v1 =	vmul.f32 v63, v1  }
0x149: {  	s16 =	sshrl.u32 s16, $0x3;
	[tilespmem:s30+$0x60] =	vst v3  }
0x14a: {  	s21 =	sadd.s32 $0x1, s21;
	[tilespmem:s30+$0xFFFFFF80] =	vst v1;
	s30 =	sadd.s32 s13, s16  }
0x14b: {  	[tilespmem:s4], [sflag:$0x2] =	stream.linear.gather [hbm4b:s30+s4], $0x200, $0x38;
	[tilespmem:$0x1A7F0] =	vst v63  }
0x14c: {  	p0 =	sne.s32 s21, $0x30;
	s16 =	sadd.s32 s14, s16  }
0x14d: {  	[tilespmem:s20], [sflag:$0x2] =	stream.linear.gather [hbm4b:s16+s4], $0x200, $0x38;
	[tilespmem:$0x1A7F0] =	vst v63  }
.Ltmp3:
0x14e: {  	_ = 	snop;
	(pc) =	sbr.rel @p0 .LBB2_4-.Ltmp3, $4  }
0x14f: {  	_ =	swait.ge [sflag:s1], $0x200  }
0x150: {  	[sflag:s1] =	ssyncset.done $0x0  }
0x151: {  	s31 =	simm.s32 $0x8C00;
	[sflag:s1] =	ssyncadd.s32 $0xFFFFFE00  }
0x152: {  	[spmem:s2] =	stream.indirect.scatter.add.f32 [tilespmem:s31], [sflag:$0x4], $0x10, s29, s20, $0xb8;
	[tilespmem:$0x1A7F0] =	vst v63  }
0x153: {  	_ =	swait.ge [sflag:s15], $0x2000  }
0x154: {  	[sflag:s15] =	ssyncset.done $0x0  }
0x155: {  	[sflag:s15] =	ssyncadd.s32 $0xFFFFE000  }
0x156: {  	_ =	swait.ge [sflag:s3], $0x4000  }
0x157: {  	[sflag:s3] =	ssyncset.done $0x0  }
0x158: {  	s16 =	simm.s32 $0x6C00;
	[sflag:s3] =	ssyncadd.s32 $0xFFFFC000  }
0x159: {  	v2 =	vld [tilespmem:s16+$0xFFFFE0F0]  }
0x15a: {  	v3 =	vld [tilespmem:s16+$0xF0]  }
0x15b: {  	v1 =	vld [tilespmem:s16+$0x0]  }
0x15c: {  	v4 =	vld [tilespmem:s16+$0xFFFFE010]  }
0x15d: {  	v5 =	vld [tilespmem:s16+$0x10]  }
0x15e: {  	v6 =	vld [tilespmem:s16+$0xFFFFE020]  }
0x15f: {  	v7 =	vld [tilespmem:s16+$0x20]  }
0x160: {  	v8 =	vld [tilespmem:s16+$0xFFFFE030]  }
0x161: {  	v9 =	vld [tilespmem:s16+$0x30]  }
0x162: {  	v10 =	vld [tilespmem:s16+$0xFFFFE040]  }
0x163: {  	v11 =	vld [tilespmem:s16+$0x40]  }
0x164: {  	v12 =	vld [tilespmem:s16+$0xFFFFE050]  }
0x165: {  	v13 =	vld [tilespmem:s16+$0x50]  }
0x166: {  	v14 =	vld [tilespmem:s16+$0xFFFFE060]  }
0x167: {  	v16 =	vld [tilespmem:s16+$0x60]  }
0x168: {  	v17 =	vld [tilespmem:s16+$0xFFFFE070];
	v15 =	vadd.f32 v3, v2  }
0x169: {  	v18 =	vld [tilespmem:s16+$0x70];
	v2 =	vsub.f32 v2, v3;
	v3 =	vadd.f32 v5, v4  }
0x16a: {  	v19 =	vld [tilespmem:s16+$0xFFFFE080];
	v4 =	vsub.f32 v4, v5;
	v5 =	vadd.f32 v7, v6;
	v15 =	vperm.xlane v15, v0  }
0x16b: {  	v20 =	vld [tilespmem:s16+$0x80];
	v6 =	vsub.f32 v6, v7;
	v7 =	vsub.f32 v8, v9;
	v3 =	vperm.xlane v3, v0  }
0x16c: {  	v21 =	vld [tilespmem:s16+$0xA0];
	v5 =	vperm.xlane v5, v0;
	v2 =	vmul.f32 v15, v2;
	v15 =	vadd.f32 v9, v8  }
0x16d: {  	v8 =	vld [tilespmem:s16+$0xFFFFE090];
	v3 =	vmul.f32 v3, v4;
	v9 =	vadd.f32 v11, v10;
	v10 =	vsub.f32 v10, v11  }
0x16e: {  	v5 =	vmul.f32 v5, v6;
	v6 =	vadd.f32 v13, v12;
	v4 =	vperm.xlane v15, v0;
	v15 =	vld [tilespmem:s16+$0x90]  }
0x16f: {  	s21 =	simm.s32 $0xAC80;
	v11 =	vld [tilespmem:s16+$0xFFFFE0A0];
	v12 =	vsub.f32 v12, v13;
	v13 =	vadd.f32 v16, v14;
	v9 =	vperm.xlane v9, v0  }
0x170: {  	v61 =	vsub.f32 v19, v20;
	[tilespmem:s21+$0x70] =	vst v2;
	v2 =	vmul.f32 v4, v7;
	v4 =	vperm.xlane v6, v0;
	v7 =	vld [tilespmem:s16+$0xFFFFE0B0]  }
0x171: {  	[tilespmem:s21+$0xFFFFFF90] =	vst v3;
	v3 =	vmul.f32 v9, v10;
	v9 =	vperm.xlane v13, v0;
	v10 =	vadd.f32 v18, v17;
	v13 =	vld [tilespmem:s16+$0xB0]  }
0x172: {  	v63 =	vld [tilespmem:s16+$0xC0];
	[tilespmem:s21+$0xFFFFFFA0] =	vst v5;
	v6 =	vsub.f32 v14, v16;
	v4 =	vmul.f32 v4, v12;
	v12 =	vadd.f32 v20, v19  }
0x173: {  	v5 =	vsub.f32 v17, v18;
	v14 =	vld [tilespmem:s16+$0xFFFFE0C0];
	[tilespmem:s21+$0xFFFFFFB0] =	vst v2;
	v10 =	vperm.xlane v10, v0;
	v62 =	vadd.f32 v15, v8  }
0x174: {  	[tilespmem:s21+$0xFFFFFFC0] =	vst v3;
	v3 =	vmul.f32 v9, v6;
	v2 =	vld [tilespmem:s16+$0xFFFFE0D0];
	v9 =	vsub.f32 v8, v15;
	v6 =	vperm.xlane v12, v0  }
0x175: {  	[tilespmem:s21+$0xFFFFFFD0] =	vst v4;
	v5 =	vmul.f32 v10, v5;
	v10 =	vadd.f32 v21, v11;
	v4 =	vld [tilespmem:s16+$0xD0];
	v12 =	vperm.xlane v62, v0  }
0x176: {  	v8 =	vsub.f32 v11, v21;
	[tilespmem:s21+$0xFFFFFFE0] =	vst v3;
	v3 =	vld [tilespmem:s16+$0xFFFFE0E0];
	v15 =	vadd.f32 v13, v7;
	v11 =	vmul.f32 v6, v61  }
0x177: {  	v7 =	vsub.f32 v7, v13;
	[tilespmem:s21+$0xFFFFFFF0] =	vst v5;
	v10 =	vperm.xlane v10, v0;
	v6 =	vld [tilespmem:s16+$0xE0];
	v12 =	vmul.f32 v12, v9  }
0x178: {  	s28 =	simm.s32 $0x0;
	v13 =	vadd.f32 v63, v14;
	v5 =	vld [tilespmem:s16+$0xFFFFE000];
	s16 =	simm.s32 $0x6D00;
	v9 =	vsub.f32 v14, v63;
	[tilespmem:s21+$0x0] =	vst v11;
	v11 =	vperm.xlane v15, v0  }
.LBB2_10:
0x179: {  	v14 =	vld [tilespmem:s16+$0xFFFFE0F0];
	[tilespmem:s21+$0x10] =	vst v12;
	v8 =	vmul.f32 v10, v8  }
0x17a: {  	s28 =	sadd.s32 $0x10, s28;
	v10 =	vld [tilespmem:s16+$0xF0];
	v12 =	vperm.xlane v13, v0;
	v13 =	vadd.f32 v4, v2;
	v2 =	vsub.f32 v2, v4  }
0x17b: {  	p0 =	slt.u32 s28, $0x1F0;
	v7 =	vmul.f32 v11, v7;
	v4 =	vld [tilespmem:s16+$0x0];
	[tilespmem:s21+$0x20] =	vst v8  }
0x17c: {  	v8 =	vld [tilespmem:s16+$0xFFFFE010];
	v11 =	vperm.xlane v13, v0;
	v13 =	vadd.f32 v6, v3;
	v3 =	vsub.f32 v3, v6  }
0x17d: {  	v16 =	vmul.f32 v12, v9;
	v6 =	vld [tilespmem:s16+$0x10];
	v15 =	vadd.f32 v1, v5;
	v5 =	vsub.f32 v5, v1;
	[tilespmem:s21+$0x30] =	vst v7  }
0x17e: {  	v7 =	vld [tilespmem:s16+$0xFFFFE020];
	v2 =	vmul.f32 v11, v2;
	v9 =	vperm.xlane v13, v0  }
0x17f: {  	v11 =	vld [tilespmem:s16+$0x20];
	v12 =	vadd.f32 v10, v14;
	v13 =	vperm.xlane v15, v0;
	[tilespmem:s21+$0x40] =	vst v16  }
0x180: {  	v15 =	vld [tilespmem:s16+$0xFFFFE030];
	[tilespmem:s21+$0x50] =	vst v2;
	v2 =	vmul.f32 v9, v3;
	v1 =	vmov v4  }
0x181: {  	v9 =	vsub.f32 v14, v10;
	v3 =	vld [tilespmem:s16+$0x30];
	v4 =	vperm.xlane v12, v0;
	v5 =	vmul.f32 v13, v5  }
0x182: {  	v10 =	vadd.f32 v6, v8;
	v6 =	vsub.f32 v8, v6;
	v8 =	vld [tilespmem:s16+$0xFFFFE040];
	[tilespmem:s21+$0x60] =	vst v2  }
0x183: {  	v2 =	vld [tilespmem:s16+$0x40];
	v4 =	vmul.f32 v4, v9;
	[tilespmem:s21+$0xFFFFFF80] =	vst v5  }
0x184: {  	s21 =	sadd.s32 $0x100, s21;
	v5 =	vperm.xlane v10, v0;
	v9 =	vadd.f32 v11, v7;
	v7 =	vsub.f32 v7, v11;
	v10 =	vld [tilespmem:s16+$0xFFFFE050]  }
0x185: {  	v11 =	vld [tilespmem:s16+$0x50];
	[tilespmem:s21+$0x70] =	vst v4  }
0x186: {  	v4 =	vperm.xlane v9, v0;
	v9 =	vadd.f32 v3, v15;
	v3 =	vsub.f32 v15, v3;
	v12 =	vld [tilespmem:s16+$0xFFFFE060]  }
0x187: {  	v5 =	vmul.f32 v5, v6;
	v6 =	vld [tilespmem:s16+$0x60]  }
0x188: {  	v9 =	vperm.xlane v9, v0;
	v13 =	vadd.f32 v2, v8;
	v2 =	vsub.f32 v8, v2;
	v8 =	vld [tilespmem:s16+$0xFFFFE070]  }
0x189: {  	v4 =	vmul.f32 v4, v7;
	[tilespmem:s21+$0xFFFFFF90] =	vst v5;
	v5 =	vld [tilespmem:s16+$0x70]  }
0x18a: {  	v7 =	vperm.xlane v13, v0;
	v13 =	vadd.f32 v11, v10;
	v10 =	vsub.f32 v10, v11;
	v11 =	vld [tilespmem:s16+$0xFFFFE080]  }
0x18b: {  	v3 =	vmul.f32 v9, v3;
	[tilespmem:s21+$0xFFFFFFA0] =	vst v4;
	v4 =	vld [tilespmem:s16+$0x80]  }
0x18c: {  	v9 =	vperm.xlane v13, v0;
	v13 =	vadd.f32 v6, v12;
	v6 =	vsub.f32 v12, v6;
	v12 =	vld [tilespmem:s16+$0xFFFFE090]  }
0x18d: {  	v2 =	vmul.f32 v7, v2;
	[tilespmem:s21+$0xFFFFFFB0] =	vst v3;
	v3 =	vld [tilespmem:s16+$0x90]  }
0x18e: {  	v7 =	vperm.xlane v13, v0;
	v13 =	vadd.f32 v5, v8;
	v5 =	vsub.f32 v8, v5;
	v8 =	vld [tilespmem:s16+$0xFFFFE0A0]  }
0x18f: {  	[tilespmem:s21+$0xFFFFFFC0] =	vst v2;
	v2 =	vmul.f32 v9, v10;
	v9 =	vld [tilespmem:s16+$0xA0]  }
0x190: {  	v10 =	vperm.xlane v13, v0;
	v13 =	vadd.f32 v4, v11;
	v4 =	vsub.f32 v11, v4;
	v11 =	vld [tilespmem:s16+$0xFFFFE0B0]  }
0x191: {  	[tilespmem:s21+$0xFFFFFFD0] =	vst v2;
	v2 =	vmul.f32 v7, v6;
	v6 =	vld [tilespmem:s16+$0xB0]  }
0x192: {  	v7 =	vperm.xlane v13, v0;
	v13 =	vadd.f32 v3, v12;
	v12 =	vsub.f32 v12, v3;
	v14 =	vld [tilespmem:s16+$0xFFFFE0C0]  }
0x193: {  	v3 =	vmul.f32 v10, v5;
	[tilespmem:s21+$0xFFFFFFE0] =	vst v2;
	v15 =	vld [tilespmem:s16+$0xC0]  }
.Ltmp4:
0x194: {  	v5 =	vperm.xlane v13, v0;
	v10 =	vadd.f32 v9, v8;
	v8 =	vsub.f32 v8, v9;
	v2 =	vld [tilespmem:s16+$0xFFFFE0D0];
	(pc) =	sbr.rel @p0 .LBB2_10-.Ltmp4, $4  }
0x195: {  	v9 =	vmul.f32 v7, v4;
	[tilespmem:s21+$0xFFFFFFF0] =	vst v3;
	v4 =	vld [tilespmem:s16+$0xD0]  }
0x196: {  	v10 =	vperm.xlane v10, v0;
	v13 =	vadd.f32 v6, v11;
	v7 =	vsub.f32 v11, v6;
	v3 =	vld [tilespmem:s16+$0xFFFFE0E0]  }
0x197: {  	v12 =	vmul.f32 v5, v12;
	[tilespmem:s21+$0x0] =	vst v9;
	v6 =	vld [tilespmem:s16+$0xE0]  }
0x198: {  	v5 =	vld [tilespmem:s16+$0xFFFFE000];
	v11 =	vperm.xlane v13, v0;
	v13 =	vadd.f32 v15, v14;
	v9 =	vsub.f32 v14, v15;
	s16 =	sadd.s32 $0x100, s16  }
0x199: {  	_ =	sdelay $0x1  }
0x19a: {  	v8 =	vmul.f32 v10, v8;
	v59 =	vadd.f32 v4, v2  }
0x19b: {  	v13 =	vperm.xlane v13, v0;
	v2 =	vsub.f32 v2, v4;
	v60 =	vadd.f32 v6, v3  }
0x19c: {  	[tilespmem:s21+$0x10] =	vst v12;
	v7 =	vmul.f32 v11, v7;
	v10 =	vperm.xlane v59, v0;
	v61 =	vadd.f32 v1, v5  }
0x19d: {  	[tilespmem:s21+$0x20] =	vst v8;
	v3 =	vsub.f32 v3, v6;
	v62 =	vmul.f32 v13, v9;
	v4 =	vperm.xlane v60, v0  }
0x19e: {  	[tilespmem:s21+$0x30] =	vst v7;
	v1 =	vsub.f32 v5, v1;
	v2 =	vmul.f32 v10, v2;
	v63 =	vperm.xlane v61, v0  }
0x19f: {  	[tilespmem:s21+$0x40] =	vst v62;
	v3 =	vmul.f32 v4, v3  }
0x1a0: {  	[tilespmem:s21+$0x50] =	vst v2;
	v1 =	vmul.f32 v63, v1  }
0x1a1: {  	[tilespmem:s21+$0x60] =	vst v3  }
0x1a2: {  	[tilespmem:s21+$0xFFFFFF80] =	vst v1  }
0x1a3: {  	_ =	swait.ge [sflag:s1], $0x200  }
0x1a4: {  	[sflag:s1] =	ssyncset.done $0x0  }
0x1a5: {  	[sflag:s1] =	ssyncadd.s32 $0xFFFFFE00  }
0x1a6: {  	[spmem:s2] =	stream.indirect.scatter.add.f32 [tilespmem:s18], [sflag:$0x4], $0x10, s0, s20, $0xb8;
	[tilespmem:$0x1A7F0] =	vst v63  }
0x1a7: {  	_ =	swait.ge [sflag:s15], $0x2000  }
0x1a8: {  	[sflag:s15] =	ssyncset.done $0x0  }
0x1a9: {  	[sflag:s15] =	ssyncadd.s32 $0xFFFFE000  }
0x1aa: {  	_ =	swait.ge [sflag:s22], $0x400  }
0x1ab: {  	[sflag:s22] =	ssyncset.done $0x0  }
0x1ac: {  	[sflag:s22] =	ssyncadd.s32 $0xFFFFFC00  }
0x1ad: {  	[bflag:$0x0] =	sbarrier.arrive $0xFFFF  }
0x1ae: {  	s16 =	simm.s32 $0x18F80;
	s31 =	rddreg [dreg:$0x4]  }
0x1af: {  	[tilespmem:s16], [sflag:$0x5] =	stream.linear.gather [spmem:s31], $0x1870, $0x38;
	[tilespmem:$0x1A7F0] =	vst v63  }
0x1b0: {  	_ =	swait.ge [sflag:s17], $0x1870  }
0x1b1: {  	s30 =	sadd.s32 $0x0, s6;
	[sflag:s17] =	ssyncset.done $0x0  }
0x1b2: {  	s28 =	simm.s32 $0x18F90;
	s21 =	simm.s32 $0x1;
	[sflag:s17] =	ssyncadd.s32 $0xFFFFE790  }
.LBB2_12:
0x1b3: {  	[hbm4b:s30+s4] =	stream.linear.scatter [tilespmem:s16], [sflag:$0x5], $0x8, $0x38;
	[tilespmem:$0x1A7F0] =	vst v63  }
0x1b4: {  	s30 =	smov.u32 s21;
	s16 =	smov.u32 s28;
	p0 =	sne.s32 s21, $0x186  }
.Ltmp5:
0x1b5: {  	s21 =	sadd.s32 $0x1, s21;
	(pc) =	sbr.rel @p0 .LBB2_12-.Ltmp5, $2  }
0x1b6: {  	_ =	sdelay $0x2  }
0x1b7: {  	s28 =	sadd.s32 $0x10, s28;
	s30 =	sadd.s32 s30, s6  }
0x1b8: {  	[hbm4b:s30+s4] =	stream.linear.scatter [tilespmem:s16], [sflag:$0x5], $0x8, $0x38;
	[tilespmem:$0x1A7F0] =	vst v63  }
0x1b9: {  	_ =	swait.ge [sflag:s17], $0xC38  }
0x1ba: {  	[sflag:s17] =	ssyncset.done $0x0  }
0x1bb: {  	s16 =	simm.s32 $0x18F80;
	s21 =	rddreg [dreg:$0xc];
	[sflag:s17] =	ssyncadd.s32 $0xFFFFF3C8  }
0x1bc: {  	[tilespmem:s16], [sflag:$0x5] =	stream.linear.gather [spmem:s21], $0x1870, $0x38;
	[tilespmem:$0x1A7F0] =	vst v63  }
0x1bd: {  	_ =	swait.ge [sflag:s17], $0x1870  }
0x1be: {  	s30 =	sadd.s32 $0x0, s24;
	[sflag:s17] =	ssyncset.done $0x0  }
0x1bf: {  	s28 =	simm.s32 $0x18F90;
	s21 =	simm.s32 $0x1;
	[sflag:s17] =	ssyncadd.s32 $0xFFFFE790  }
.LBB2_14:
0x1c0: {  	[hbm4b:s30+s4] =	stream.linear.scatter [tilespmem:s16], [sflag:$0x5], $0x8, $0x38;
	[tilespmem:$0x1A7F0] =	vst v63  }
0x1c1: {  	s30 =	smov.u32 s21;
	s16 =	smov.u32 s28;
	p0 =	sne.s32 s21, $0x186  }
.Ltmp6:
0x1c2: {  	s21 =	sadd.s32 $0x1, s21;
	(pc) =	sbr.rel @p0 .LBB2_14-.Ltmp6, $2  }
0x1c3: {  	_ =	sdelay $0x2  }
0x1c4: {  	s28 =	sadd.s32 $0x10, s28;
	s30 =	sadd.s32 s30, s24  }
0x1c5: {  	[hbm4b:s30+s4] =	stream.linear.scatter [tilespmem:s16], [sflag:$0x5], $0x8, $0x38;
	[tilespmem:$0x1A7F0] =	vst v63  }
0x1c6: {  	_ =	swait.ge [sflag:s17], $0xC38  }
0x1c7: {  	[sflag:s17] =	ssyncset.done $0x0  }
0x1c8: {  	s16 =	simm.s32 $0x18F80;
	s21 =	rddreg [dreg:$0xd];
	[sflag:s17] =	ssyncadd.s32 $0xFFFFF3C8  }
0x1c9: {  	[tilespmem:s16], [sflag:$0x5] =	stream.linear.gather [spmem:s21], $0x1870, $0x38;
	[tilespmem:$0x1A7F0] =	vst v63  }
0x1ca: {  	_ =	swait.ge [sflag:s17], $0x1870  }
0x1cb: {  	s30 =	sadd.s32 $0x0, s7;
	[sflag:s17] =	ssyncset.done $0x0  }
0x1cc: {  	s28 =	simm.s32 $0x18F90;
	s21 =	simm.s32 $0x1;
	[sflag:s17] =	ssyncadd.s32 $0xFFFFE790  }
.LBB2_16:
0x1cd: {  	[hbm4b:s30+s4] =	stream.linear.scatter [tilespmem:s16], [sflag:$0x5], $0x8, $0x38;
	[tilespmem:$0x1A7F0] =	vst v63  }
0x1ce: {  	s30 =	smov.u32 s21;
	s16 =	smov.u32 s28;
	p0 =	sne.s32 s21, $0x186  }
.Ltmp7:
0x1cf: {  	s21 =	sadd.s32 $0x1, s21;
	(pc) =	sbr.rel @p0 .LBB2_16-.Ltmp7, $2  }
0x1d0: {  	_ =	sdelay $0x2  }
0x1d1: {  	s28 =	sadd.s32 $0x10, s28;
	s30 =	sadd.s32 s30, s7  }
0x1d2: {  	[hbm4b:s30+s4] =	stream.linear.scatter [tilespmem:s16], [sflag:$0x5], $0x8, $0x38;
	[tilespmem:$0x1A7F0] =	vst v63  }
0x1d3: {  	_ =	swait.ge [sflag:s17], $0xC38  }
0x1d4: {  	[sflag:s17] =	ssyncset.done $0x0  }
0x1d5: {  	s16 =	simm.s32 $0x18F80;
	s21 =	rddreg [dreg:$0xe];
	[sflag:s17] =	ssyncadd.s32 $0xFFFFF3C8  }
0x1d6: {  	[tilespmem:s16], [sflag:$0x5] =	stream.linear.gather [spmem:s21], $0x1870, $0x38;
	[tilespmem:$0x1A7F0] =	vst v63  }
0x1d7: {  	_ =	swait.ge [sflag:s17], $0x1870  }
0x1d8: {  	s30 =	sadd.s32 $0x0, s8;
	[sflag:s17] =	ssyncset.done $0x0  }
0x1d9: {  	s28 =	simm.s32 $0x18F90;
	s21 =	simm.s32 $0x1;
	[sflag:s17] =	ssyncadd.s32 $0xFFFFE790  }
.LBB2_18:
0x1da: {  	[hbm4b:s30+s4] =	stream.linear.scatter [tilespmem:s16], [sflag:$0x5], $0x8, $0x38;
	[tilespmem:$0x1A7F0] =	vst v63  }
0x1db: {  	s30 =	smov.u32 s21;
	s16 =	smov.u32 s28;
	p0 =	sne.s32 s21, $0x186  }
.Ltmp8:
0x1dc: {  	s21 =	sadd.s32 $0x1, s21;
	(pc) =	sbr.rel @p0 .LBB2_18-.Ltmp8, $2  }
0x1dd: {  	_ =	sdelay $0x2  }
0x1de: {  	s28 =	sadd.s32 $0x10, s28;
	s30 =	sadd.s32 s30, s8  }
0x1df: {  	[hbm4b:s30+s4] =	stream.linear.scatter [tilespmem:s16], [sflag:$0x5], $0x8, $0x38;
	[tilespmem:$0x1A7F0] =	vst v63  }
0x1e0: {  	_ =	swait.ge [sflag:s17], $0xC38  }
0x1e1: {  	[sflag:s17] =	ssyncset.done $0x0  }
0x1e2: {  	s16 =	simm.s32 $0x18F80;
	s21 =	rddreg [dreg:$0xf];
	[sflag:s17] =	ssyncadd.s32 $0xFFFFF3C8  }
0x1e3: {  	[tilespmem:s16], [sflag:$0x5] =	stream.linear.gather [spmem:s21], $0x1870, $0x38;
	[tilespmem:$0x1A7F0] =	vst v63  }
0x1e4: {  	_ =	swait.ge [sflag:s17], $0x1870  }
0x1e5: {  	s30 =	sadd.s32 $0x0, s9;
	[sflag:s17] =	ssyncset.done $0x0  }
0x1e6: {  	s28 =	simm.s32 $0x18F90;
	s21 =	simm.s32 $0x1;
	[sflag:s17] =	ssyncadd.s32 $0xFFFFE790  }
.LBB2_20:
0x1e7: {  	[hbm4b:s30+s4] =	stream.linear.scatter [tilespmem:s16], [sflag:$0x5], $0x8, $0x38;
	[tilespmem:$0x1A7F0] =	vst v63  }
0x1e8: {  	s30 =	smov.u32 s21;
	s16 =	smov.u32 s28;
	p0 =	sne.s32 s21, $0x186  }
.Ltmp9:
0x1e9: {  	s21 =	sadd.s32 $0x1, s21;
	(pc) =	sbr.rel @p0 .LBB2_20-.Ltmp9, $2  }
0x1ea: {  	_ =	sdelay $0x2  }
0x1eb: {  	s28 =	sadd.s32 $0x10, s28;
	s30 =	sadd.s32 s30, s9  }
0x1ec: {  	[hbm4b:s30+s4] =	stream.linear.scatter [tilespmem:s16], [sflag:$0x5], $0x8, $0x38;
	[tilespmem:$0x1A7F0] =	vst v63  }
0x1ed: {  	_ =	swait.ge [sflag:s17], $0xC38  }
0x1ee: {  	[sflag:s17] =	ssyncset.done $0x0  }
0x1ef: {  	s16 =	simm.s32 $0x18F80;
	s21 =	rddreg [dreg:$0x10];
	[sflag:s17] =	ssyncadd.s32 $0xFFFFF3C8  }
0x1f0: {  	[tilespmem:s16], [sflag:$0x5] =	stream.linear.gather [spmem:s21], $0x1870, $0x38;
	[tilespmem:$0x1A7F0] =	vst v63  }
0x1f1: {  	_ =	swait.ge [sflag:s17], $0x1870  }
0x1f2: {  	s30 =	sadd.s32 $0x0, s10;
	[sflag:s17] =	ssyncset.done $0x0  }
0x1f3: {  	s28 =	simm.s32 $0x18F90;
	s21 =	simm.s32 $0x1;
	[sflag:s17] =	ssyncadd.s32 $0xFFFFE790  }
.LBB2_22:
0x1f4: {  	[hbm4b:s30+s4] =	stream.linear.scatter [tilespmem:s16], [sflag:$0x5], $0x8, $0x38;
	[tilespmem:$0x1A7F0] =	vst v63  }
0x1f5: {  	s30 =	smov.u32 s21;
	s16 =	smov.u32 s28;
	p0 =	sne.s32 s21, $0x186  }
.Ltmp10:
0x1f6: {  	s21 =	sadd.s32 $0x1, s21;
	(pc) =	sbr.rel @p0 .LBB2_22-.Ltmp10, $2  }
0x1f7: {  	_ =	sdelay $0x2  }
0x1f8: {  	s28 =	sadd.s32 $0x10, s28;
	s30 =	sadd.s32 s30, s10  }
0x1f9: {  	[hbm4b:s30+s4] =	stream.linear.scatter [tilespmem:s16], [sflag:$0x5], $0x8, $0x38;
	[tilespmem:$0x1A7F0] =	vst v63  }
0x1fa: {  	_ =	swait.ge [sflag:s17], $0xC38  }
0x1fb: {  	[sflag:s17] =	ssyncset.done $0x0  }
0x1fc: {  	s16 =	simm.s32 $0x18F80;
	s21 =	rddreg [dreg:$0x11];
	[sflag:s17] =	ssyncadd.s32 $0xFFFFF3C8  }
0x1fd: {  	[tilespmem:s16], [sflag:$0x5] =	stream.linear.gather [spmem:s21], $0x1870, $0x38;
	[tilespmem:$0x1A7F0] =	vst v63  }
0x1fe: {  	_ =	swait.ge [sflag:s17], $0x1870  }
0x1ff: {  	s30 =	sadd.s32 $0x0, s11;
	[sflag:s17] =	ssyncset.done $0x0  }
0x200: {  	s28 =	simm.s32 $0x18F90;
	s21 =	simm.s32 $0x1;
	[sflag:s17] =	ssyncadd.s32 $0xFFFFE790  }
.LBB2_24:
0x201: {  	[hbm4b:s30+s4] =	stream.linear.scatter [tilespmem:s16], [sflag:$0x5], $0x8, $0x38;
	[tilespmem:$0x1A7F0] =	vst v63  }
0x202: {  	s30 =	smov.u32 s21;
	s16 =	smov.u32 s28;
	p0 =	sne.s32 s21, $0x186  }
.Ltmp11:
0x203: {  	s21 =	sadd.s32 $0x1, s21;
	(pc) =	sbr.rel @p0 .LBB2_24-.Ltmp11, $2  }
0x204: {  	_ =	sdelay $0x2  }
0x205: {  	s28 =	sadd.s32 $0x10, s28;
	s30 =	sadd.s32 s30, s11  }
0x206: {  	[hbm4b:s30+s4] =	stream.linear.scatter [tilespmem:s16], [sflag:$0x5], $0x8, $0x38;
	[tilespmem:$0x1A7F0] =	vst v63  }
0x207: {  	_ =	swait.ge [sflag:s17], $0xC38  }
0x208: {  	[sflag:s17] =	ssyncset.done $0x0  }
0x209: {  	s16 =	simm.s32 $0x18F80;
	s21 =	rddreg [dreg:$0x12];
	[sflag:s17] =	ssyncadd.s32 $0xFFFFF3C8  }
0x20a: {  	[tilespmem:s16], [sflag:$0x5] =	stream.linear.gather [spmem:s21], $0x1870, $0x38;
	[tilespmem:$0x1A7F0] =	vst v63  }
0x20b: {  	_ =	swait.ge [sflag:s17], $0x1870  }
0x20c: {  	s30 =	sadd.s32 $0x0, s12;
	[sflag:s17] =	ssyncset.done $0x0  }
0x20d: {  	s28 =	simm.s32 $0x18F90;
	s21 =	simm.s32 $0x1;
	[sflag:s17] =	ssyncadd.s32 $0xFFFFE790  }
.LBB2_26:
0x20e: {  	[hbm4b:s30+s4] =	stream.linear.scatter [tilespmem:s16], [sflag:$0x5], $0x8, $0x38;
	[tilespmem:$0x1A7F0] =	vst v63  }
0x20f: {  	s30 =	smov.u32 s21;
	s16 =	smov.u32 s28;
	p0 =	sne.s32 s21, $0x186  }
.Ltmp12:
0x210: {  	s21 =	sadd.s32 $0x1, s21;
	(pc) =	sbr.rel @p0 .LBB2_26-.Ltmp12, $2  }
0x211: {  	_ =	sdelay $0x2  }
0x212: {  	s28 =	sadd.s32 $0x10, s28;
	s30 =	sadd.s32 s30, s12  }
0x213: {  	[hbm4b:s30+s4] =	stream.linear.scatter [tilespmem:s16], [sflag:$0x5], $0x8, $0x38;
	[tilespmem:$0x1A7F0] =	vst v63  }
0x214: {  	_ =	swait.ge [sflag:s17], $0xC38  }
0x215: {  	s21 =	rddreg [dreg:$0x14]  }
0x216: {  	s30 =	rddreg [dreg:$0x13];
	s21 =	sadd.s32 $0x1, s21  }
0x217: {  	p0 =	sne.s32 s21, s30  }
.Ltmp13:
0x218: {  	_ = 	snop;
	(pc) =	sbr.rel @p0 .LBB2_1-.Ltmp13, $3  }
0x219: {  	_ =	sdelay $0x1  }
0x21a: {  	[sflag:s17] =	ssyncset.done $0x0  }
0x21b: {  	[sflag:s17] =	ssyncadd.s32 $0xFFFFF3C8  }
0x21c: {  	_ =	sfence.sel $0x180000  }
0x21d: {  	[bflag:$0x0] =	sbarrier.arrive $0xFFFF  }
0x21e: {  	_ =	strace $0x90000047  }
0x21f: {  	s0 =	stileid.u32;
	[bflag:$0x2] =	sbarrier.arrive $0xFFFF  }
0x220: {  	p0 =	sne.s32 s0, $0x0;
	s0 =	rddreg [dreg:$0x3]  }
0x221: {  	s0 =	sadd.s32 @!p0 $0x100000, s0  }
0x222: {  	[sflag:s0] =	ssyncadd.tile.s32 @!p0 $0x1;
	_ =	shalt  }
.Lfunc_end2:
_tile_overlayer_lowered:
.L_overlay_start_2:
0x223: {  	(tag) =	ssettag $0x2  }
0x224: {  	s0 =	rddreg [dreg:$0x0];
	s2 =	stileid.u32  }
0x225: {  	s1 =	rddreg [dreg:$0x1];
	p0 =	sne.s32 s2, $0x0  }
0x226: {  	s3 =	rddreg [dreg:$0x2];
	[bflag:$0x3] =	sbarrier.arrive $0xFFFF;
	s2 =	simm.s32 @!p0 $0x1C05  }
0x227: {  	[timem:s3], [sflag:s2] =	dma.local @!p0 [hbm:s0], s1  }
0x228: {  	s0 =	simm.s32 @!p0 $0x5  }
0x229: {  	_ =	swait.ge @!p0 [sflag:s0], s1  }
0x22a: {  	s1 =	ssub.s32 @!p0 $0x0, s1;
	[sflag:s0] =	ssyncset.done @!p0 $0x0  }
0x22b: {  	[sflag:s0] =	ssyncadd.s32 @!p0 s1  }
0x22c: {  	[bflag:$0x3] =	sbarrier.arrive $0xFFFF  }
0x22d: {  	_ =	shalt  }

</sc_bundles>
